<compile_context>
chip_gen: v7x
topology: tpu7x:2x2x1
jax: 0.10.2.dev20260603
libtpu: 0.0.44.dev20260713+nightly
codegen_flags: <defaults>
</compile_context>

<pallas_src>
import functools
import math

import jax
import jax.numpy as jnp
from jax import lax
from jax.experimental import pallas as pl
from jax.experimental.pallas import tpu as pltpu
from jax.experimental.pallas import tpu_sc as plsc

D_MODEL = 128
VOCAB = 100000
SCALE = math.sqrt(float(D_MODEL))

_NC = 2
_NS = 16
_NW = _NC * _NS

_B = 4096 * 200
_PER_W = _B // _NW
_CHUNK = 128
_NCHUNK = _PER_W // _CHUNK


_NBUF = 5


def _gather(idx, table):
    mesh = plsc.VectorSubcoreMesh(core_axis_name="c", subcore_axis_name="s")

    @functools.partial(
        pl.kernel,
        mesh=mesh,
        out_type=jax.ShapeDtypeStruct((_B, D_MODEL), jnp.float32),
        scratch_types=[
            pltpu.VMEM((_NCHUNK, _CHUNK), jnp.int32),
            pltpu.VMEM((_NBUF, _CHUNK, D_MODEL), jnp.float32),
            pltpu.SemaphoreType.DMA,
            pltpu.SemaphoreType.DMA,
        ],
    )
    def k(idx_hbm, table_hbm, out_hbm, idx_v, rows_v, gsem, ssem):
        wid = lax.axis_index("s") * _NC + lax.axis_index("c")
        base = wid * _PER_W
        pltpu.sync_copy(idx_hbm.at[wid], idx_v)

        def gather_start(t, b):
            pltpu.async_copy(table_hbm.at[idx_v.at[t]], rows_v.at[b], gsem)

        def gather_wait(t, b):
            pltpu.make_async_copy(
                table_hbm.at[idx_v.at[t]], rows_v.at[b], gsem).wait()

        def scatter_start(t, b):
            pltpu.async_copy(
                rows_v.at[b], out_hbm.at[pl.ds(base + t * _CHUNK, _CHUNK)], ssem)

        def scatter_wait(t, b):
            pltpu.make_async_copy(
                rows_v.at[b], out_hbm.at[pl.ds(base + t * _CHUNK, _CHUNK)],
                ssem).wait()

        def scale_slot(b):
            @plsc.parallel_loop(0, _CHUNK, unroll=4)
            def _(r):
                for c in range(D_MODEL // 16):
                    sl = pl.ds(c * 16, 16)
                    rows_v[b, r, sl] = rows_v[b, r, sl] * SCALE

        for b in range(_NBUF - 1):
            gather_start(b, b)

        @pl.loop(0, _NCHUNK, step=_NBUF)
        def step(j0):
            for b in range(_NBUF):
                t = j0 + b
                bn = (b + _NBUF - 1) % _NBUF
                gather_wait(t, b)
                scale_slot(b)
                scatter_start(t, b)
                if b == 0:
                    @pl.when(j0 > 0)
                    def _():
                        scatter_wait(t - 1, bn)
                else:
                    scatter_wait(t - 1, bn)

                @pl.when(t + _NBUF - 1 < _NCHUNK)
                def _():
                    gather_start(t + _NBUF - 1, bn)

        scatter_wait(_NCHUNK - 1, (_NCHUNK - 1) % _NBUF)

    return k(idx, table)


def kernel(x, table):
    idx = x.reshape(_NW, _NCHUNK, _CHUNK).astype(jnp.int32)
    out = _gather(idx, table)
    return out.reshape(4096, 200, D_MODEL)

# --- scband reference (transcript-rebuilt; emitter-appended) ---
"""Pipeline reference for scband-input-embeddings-13460427505862 (READ-ONLY COPY).

The authoritative reference and input builder live on the scoring server;
editing this copy changes nothing except your own understanding.
"""

import jax, jax.numpy as jnp
import numpy as np
import math

D_MODEL = 128
VOCAB_SIZE = 100000

def setup_inputs(seed: int = 0) -> dict:
    key = jax.random.key(seed)
    k1, k2 = jax.random.split(key)
    x = jax.random.randint(k1, (4096, 200), 0, VOCAB_SIZE, dtype=jnp.int64 if jax.config.jax_enable_x64 else jnp.int32)
    table = jax.random.normal(k2, (VOCAB_SIZE, D_MODEL), dtype=jnp.float32)
    return {"x": x, "table": table}

def reference(x, table):
    # InputEmbeddings.forward: embed(x) * sqrt(d_model)
    out = jnp.take(table, x, axis=0) * math.sqrt(D_MODEL)
    return out

if __name__ == "__main__":
    import jax
    _d = setup_inputs()
    print(jax.jit(kernel)(*tuple(_d.values())))

</pallas_src>

<mosaic_0001>
#map = affine_map<(d0, d1) -> (0, 0, 0)>
#map1 = affine_map<(d0, d1) -> (0, 0)>
module attributes {stable_mosaic.version = 14 : i64} {
  func.func @k(%arg0: i32, %arg1: i32, %arg2: memref<32x200x128xi32, #tpu.memory_space<hbm>>, %arg3: memref<100000x128xf32, #tpu.memory_space<hbm>>, %arg4: memref<819200x128xf32, #tpu.memory_space<hbm>>, %arg5: memref<200x128xi32, #tpu.memory_space<vmem>>, %arg6: memref<5x128x128xf32, #tpu.memory_space<vmem>>, %arg7: memref<!tpu.dma_semaphore, #tpu.memory_space<semaphore_mem>>, %arg8: memref<!tpu.dma_semaphore, #tpu.memory_space<semaphore_mem>>) attributes {dimension_semantics = [#tpu.dimension_semantics<core_parallel>, #tpu.dimension_semantics<subcore_parallel>], iteration_bounds = array<i64: 2, 16>, scalar_prefetch = 0 : i64, scratch_operands = 4 : i64, tpu.core_type = #tpu.core_type<sc_vector_subcore>, window_params = [{transform_indices = #map}, {transform_indices = #map1}, {transform_indices = #map1}]} {
    %mul3A = arith.constant 2 : i32
    %mul3A_0 = arith.muli %arg1, %mul3A : i32
    %add3A = arith.addi %mul3A_0, %arg0 : i32
    %mul3A_1 = arith.constant 25600 : i32
    %mul3A_2 = arith.muli %add3A, %mul3A_1 : i32
    "tpu.region"() ({
      %run_scoped3A = tpu.sem_alloc : memref<!tpu.dma_semaphore, #tpu.memory_space<semaphore_mem>>
      %dma_start3A_68 = arith.constant 0 : i32
      %dma_start3A_69 = arith.constant 0 : i32
      %dma_start3A_70 = tpu.memref_slice %arg2[%add3A, %dma_start3A_68, %dma_start3A_69] : memref<32x200x128xi32, #tpu.memory_space<hbm>> -> memref<1x200x128xi32, #tpu.memory_space<hbm>>
      %dma_start3A_71 = tpu.memref_squeeze %dma_start3A_70 : memref<1x200x128xi32, #tpu.memory_space<hbm>> -> memref<200x128xi32, #tpu.memory_space<hbm>>
      %dma_start3A_72 = arith.constant 0 : i32
      %dma_start3A_73 = arith.constant 0 : i32
      %dma_start3A_74 = tpu.memref_slice %arg2[%add3A, %dma_start3A_72, %dma_start3A_73] : memref<32x200x128xi32, #tpu.memory_space<hbm>> -> memref<1x200x128xi32, #tpu.memory_space<hbm>>
      %dma_start3A_75 = tpu.memref_squeeze %dma_start3A_74 : memref<1x200x128xi32, #tpu.memory_space<hbm>> -> memref<200x128xi32, #tpu.memory_space<hbm>>
      tpu.enqueue_dma source(%dma_start3A_75 : memref<200x128xi32, #tpu.memory_space<hbm>>) target(%arg5 : memref<200x128xi32, #tpu.memory_space<vmem>>) target_semaphore(%run_scoped3A : memref<!tpu.dma_semaphore, #tpu.memory_space<semaphore_mem>>)
      %dma_wait3A_76 = arith.constant 0 : i32
      %dma_wait3A_77 = arith.constant 0 : i32
      %dma_wait3A_78 = tpu.memref_slice %arg2[%add3A, %dma_wait3A_76, %dma_wait3A_77] : memref<32x200x128xi32, #tpu.memory_space<hbm>> -> memref<1x200x128xi32, #tpu.memory_space<hbm>>
      %dma_wait3A_79 = tpu.memref_squeeze %dma_wait3A_78 : memref<1x200x128xi32, #tpu.memory_space<hbm>> -> memref<200x128xi32, #tpu.memory_space<hbm>>
      %dma_wait3A_80 = arith.constant 0 : i32
      %dma_wait3A_81 = arith.constant 0 : i32
      %dma_wait3A_82 = tpu.memref_slice %arg2[%add3A, %dma_wait3A_80, %dma_wait3A_81] : memref<32x200x128xi32, #tpu.memory_space<hbm>> -> memref<1x200x128xi32, #tpu.memory_space<hbm>>
      %dma_wait3A_83 = tpu.memref_squeeze %dma_wait3A_82 : memref<1x200x128xi32, #tpu.memory_space<hbm>> -> memref<200x128xi32, #tpu.memory_space<hbm>>
      tpu.wait_dma2 semaphore(%run_scoped3A : memref<!tpu.dma_semaphore, #tpu.memory_space<semaphore_mem>>) src(%dma_wait3A_83 : memref<200x128xi32, #tpu.memory_space<hbm>>) dst(%arg5 : memref<200x128xi32, #tpu.memory_space<vmem>>)
      tpu.yield
    }) : () -> ()
    %dma_start3A = arith.constant 0 : i32
    %dma_start3A_3 = arith.constant 0 : i32
    %dma_start3A_4 = arith.constant 0 : i32
    %dma_start3A_5 = arith.constant 0 : i32
    %dma_start3A_6 = tpu.memref_slice %arg6[%dma_start3A_3, %dma_start3A_4, %dma_start3A_5] : memref<5x128x128xf32, #tpu.memory_space<vmem>> -> memref<1x128x128xf32, #tpu.memory_space<vmem>>
    %dma_start3A_7 = tpu.memref_squeeze %dma_start3A_6 : memref<1x128x128xf32, #tpu.memory_space<vmem>> -> memref<128x128xf32, #tpu.memory_space<vmem>>
    %dma_start3A_8 = arith.constant 0 : i32
    %dma_start3A_9 = tpu.memref_slice %arg5[%dma_start3A, %dma_start3A_8] : memref<200x128xi32, #tpu.memory_space<vmem>> -> memref<1x128xi32, #tpu.memory_space<vmem>>
    %dma_start3A_10 = tpu.memref_squeeze %dma_start3A_9 : memref<1x128xi32, #tpu.memory_space<vmem>> -> memref<128xi32, #tpu.memory_space<vmem>>
    %dma_start3A_11 = arith.constant 0 : i32
    %dma_start3A_12 = arith.constant 0 : i32
    %dma_start3A_13 = tpu.memref_slice %arg3[%dma_start3A_11, %dma_start3A_12] : memref<100000x128xf32, #tpu.memory_space<hbm>> -> memref<100000x128xf32, #tpu.memory_space<hbm>>
    tpu.enqueue_indirect_dma source(%dma_start3A_13 : memref<100000x128xf32, #tpu.memory_space<hbm>>) target(%dma_start3A_7 : memref<128x128xf32, #tpu.memory_space<vmem>>) offsets(%dma_start3A_10 : memref<128xi32, #tpu.memory_space<vmem>>) semaphore(%arg7 : memref<!tpu.dma_semaphore, #tpu.memory_space<semaphore_mem>>)
    %dma_start3A_14 = arith.constant 1 : i32
    %dma_start3A_15 = arith.constant 1 : i32
    %dma_start3A_16 = arith.constant 0 : i32
    %dma_start3A_17 = arith.constant 0 : i32
    %dma_start3A_18 = tpu.memref_slice %arg6[%dma_start3A_15, %dma_start3A_16, %dma_start3A_17] : memref<5x128x128xf32, #tpu.memory_space<vmem>> -> memref<1x128x128xf32, #tpu.memory_space<vmem>>
    %dma_start3A_19 = tpu.memref_squeeze %dma_start3A_18 : memref<1x128x128xf32, #tpu.memory_space<vmem>> -> memref<128x128xf32, #tpu.memory_space<vmem>>
    %dma_start3A_20 = arith.constant 0 : i32
    %dma_start3A_21 = tpu.memref_slice %arg5[%dma_start3A_14, %dma_start3A_20] : memref<200x128xi32, #tpu.memory_space<vmem>> -> memref<1x128xi32, #tpu.memory_space<vmem>>
    %dma_start3A_22 = tpu.memref_squeeze %dma_start3A_21 : memref<1x128xi32, #tpu.memory_space<vmem>> -> memref<128xi32, #tpu.memory_space<vmem>>
    %dma_start3A_23 = arith.constant 0 : i32
    %dma_start3A_24 = arith.constant 0 : i32
    %dma_start3A_25 = tpu.memref_slice %arg3[%dma_start3A_23, %dma_start3A_24] : memref<100000x128xf32, #tpu.memory_space<hbm>> -> memref<100000x128xf32, #tpu.memory_space<hbm>>
    tpu.enqueue_indirect_dma source(%dma_start3A_25 : memref<100000x128xf32, #tpu.memory_space<hbm>>) target(%dma_start3A_19 : memref<128x128xf32, #tpu.memory_space<vmem>>) offsets(%dma_start3A_22 : memref<128xi32, #tpu.memory_space<vmem>>) semaphore(%arg7 : memref<!tpu.dma_semaphore, #tpu.memory_space<semaphore_mem>>)
    %dma_start3A_26 = arith.constant 2 : i32
    %dma_start3A_27 = arith.constant 2 : i32
    %dma_start3A_28 = arith.constant 0 : i32
    %dma_start3A_29 = arith.constant 0 : i32
    %dma_start3A_30 = tpu.memref_slice %arg6[%dma_start3A_27, %dma_start3A_28, %dma_start3A_29] : memref<5x128x128xf32, #tpu.memory_space<vmem>> -> memref<1x128x128xf32, #tpu.memory_space<vmem>>
    %dma_start3A_31 = tpu.memref_squeeze %dma_start3A_30 : memref<1x128x128xf32, #tpu.memory_space<vmem>> -> memref<128x128xf32, #tpu.memory_space<vmem>>
    %dma_start3A_32 = arith.constant 0 : i32
    %dma_start3A_33 = tpu.memref_slice %arg5[%dma_start3A_26, %dma_start3A_32] : memref<200x128xi32, #tpu.memory_space<vmem>> -> memref<1x128xi32, #tpu.memory_space<vmem>>
    %dma_start3A_34 = tpu.memref_squeeze %dma_start3A_33 : memref<1x128xi32, #tpu.memory_space<vmem>> -> memref<128xi32, #tpu.memory_space<vmem>>
    %dma_start3A_35 = arith.constant 0 : i32
    %dma_start3A_36 = arith.constant 0 : i32
    %dma_start3A_37 = tpu.memref_slice %arg3[%dma_start3A_35, %dma_start3A_36] : memref<100000x128xf32, #tpu.memory_space<hbm>> -> memref<100000x128xf32, #tpu.memory_space<hbm>>
    tpu.enqueue_indirect_dma source(%dma_start3A_37 : memref<100000x128xf32, #tpu.memory_space<hbm>>) target(%dma_start3A_31 : memref<128x128xf32, #tpu.memory_space<vmem>>) offsets(%dma_start3A_34 : memref<128xi32, #tpu.memory_space<vmem>>) semaphore(%arg7 : memref<!tpu.dma_semaphore, #tpu.memory_space<semaphore_mem>>)
    %dma_start3A_38 = arith.constant 3 : i32
    %dma_start3A_39 = arith.constant 3 : i32
    %dma_start3A_40 = arith.constant 0 : i32
    %dma_start3A_41 = arith.constant 0 : i32
    %dma_start3A_42 = tpu.memref_slice %arg6[%dma_start3A_39, %dma_start3A_40, %dma_start3A_41] : memref<5x128x128xf32, #tpu.memory_space<vmem>> -> memref<1x128x128xf32, #tpu.memory_space<vmem>>
    %dma_start3A_43 = tpu.memref_squeeze %dma_start3A_42 : memref<1x128x128xf32, #tpu.memory_space<vmem>> -> memref<128x128xf32, #tpu.memory_space<vmem>>
    %dma_start3A_44 = arith.constant 0 : i32
    %dma_start3A_45 = tpu.memref_slice %arg5[%dma_start3A_38, %dma_start3A_44] : memref<200x128xi32, #tpu.memory_space<vmem>> -> memref<1x128xi32, #tpu.memory_space<vmem>>
    %dma_start3A_46 = tpu.memref_squeeze %dma_start3A_45 : memref<1x128xi32, #tpu.memory_space<vmem>> -> memref<128xi32, #tpu.memory_space<vmem>>
    %dma_start3A_47 = arith.constant 0 : i32
    %dma_start3A_48 = arith.constant 0 : i32
    %dma_start3A_49 = tpu.memref_slice %arg3[%dma_start3A_47, %dma_start3A_48] : memref<100000x128xf32, #tpu.memory_space<hbm>> -> memref<100000x128xf32, #tpu.memory_space<hbm>>
    tpu.enqueue_indirect_dma source(%dma_start3A_49 : memref<100000x128xf32, #tpu.memory_space<hbm>>) target(%dma_start3A_43 : memref<128x128xf32, #tpu.memory_space<vmem>>) offsets(%dma_start3A_46 : memref<128xi32, #tpu.memory_space<vmem>>) semaphore(%arg7 : memref<!tpu.dma_semaphore, #tpu.memory_space<semaphore_mem>>)
    %scan3A = arith.constant 0 : i32
    %scan3A_50 = arith.constant 40 : i32
    %scan3A_51 = arith.addi %scan3A, %scan3A_50 : i32
    %scan3A_52 = arith.constant 1 : i32
    scf.for %scan3A_68 = %scan3A to %scan3A_51 step %scan3A_52  : i32 {
      %mul3A_69 = arith.constant 5 : i32
      %mul3A_70 = arith.muli %scan3A_68, %mul3A_69 : i32
      %add3A_71 = arith.constant 0 : i32
      %add3A_72 = arith.addi %add3A_71, %mul3A_70 : i32
      %add3A_73 = arith.constant 0 : i32
      %add3A_74 = arith.addi %add3A_72, %add3A_73 : i32
      %dma_wait3A_75 = arith.constant 0 : i32
      %dma_wait3A_76 = arith.constant 0 : i32
      %dma_wait3A_77 = arith.constant 0 : i32
      %dma_wait3A_78 = tpu.memref_slice %arg6[%dma_wait3A_75, %dma_wait3A_76, %dma_wait3A_77] : memref<5x128x128xf32, #tpu.memory_space<vmem>> -> memref<1x128x128xf32, #tpu.memory_space<vmem>>
      %dma_wait3A_79 = tpu.memref_squeeze %dma_wait3A_78 : memref<1x128x128xf32, #tpu.memory_space<vmem>> -> memref<128x128xf32, #tpu.memory_space<vmem>>
      %dma_wait3A_80 = arith.constant 0 : i32
      %dma_wait3A_81 = tpu.memref_slice %arg5[%add3A_74, %dma_wait3A_80] : memref<200x128xi32, #tpu.memory_space<vmem>> -> memref<1x128xi32, #tpu.memory_space<vmem>>
      %dma_wait3A_82 = tpu.memref_squeeze %dma_wait3A_81 : memref<1x128xi32, #tpu.memory_space<vmem>> -> memref<128xi32, #tpu.memory_space<vmem>>
      %dma_wait3A_83 = arith.constant 0 : i32
      %dma_wait3A_84 = arith.constant 0 : i32
      %dma_wait3A_85 = tpu.memref_slice %arg3[%dma_wait3A_83, %dma_wait3A_84] : memref<100000x128xf32, #tpu.memory_space<hbm>> -> memref<100000x128xf32, #tpu.memory_space<hbm>>
      tpu.wait_indirect_dma semaphore(%arg7 : memref<!tpu.dma_semaphore, #tpu.memory_space<semaphore_mem>>) src(%dma_wait3A_85 : memref<100000x128xf32, #tpu.memory_space<hbm>>) dst(%dma_wait3A_79 : memref<128x128xf32, #tpu.memory_space<vmem>>)
      %parallel_loop3A = arith.constant 0 : i32
      %parallel_loop3A_86 = arith.constant 128 : i32
      %parallel_loop3A_87 = arith.constant 1 : i32
      scf.for %parallel_loop3A_349 = %parallel_loop3A to %parallel_loop3A_86 step %parallel_loop3A_87  : i32 {
        %parallel_loop3A_350 = arith.constant 0 : i32
        %parallel_loop3A_351 = arith.index_cast %parallel_loop3A_350 : i32 to index
        %parallel_loop3A_352 = arith.index_cast %parallel_loop3A_349 : i32 to index
        %parallel_loop3A_353 = arith.constant 0 : index
        %parallel_loop3A_354 = tpu.vector_load %arg6[%parallel_loop3A_351, %parallel_loop3A_352, %parallel_loop3A_353] {strides = array<i32>} : memref<5x128x128xf32, #tpu.memory_space<vmem>>, vector<1x1x16xf32>,
        %parallel_loop3A_355 = vector.shape_cast %parallel_loop3A_354 : vector<1x1x16xf32> to vector<16xf32>
        %parallel_loop3A_356 = arith.constant 11.3137083 : f32
        %parallel_loop3A_357 = vector.broadcast %parallel_loop3A_356 : f32 to vector<16xf32>
        %parallel_loop3A_358 = arith.mulf %parallel_loop3A_355, %parallel_loop3A_357 : vector<16xf32>
        %parallel_loop3A_359 = arith.constant 0 : i32
        %parallel_loop3A_360 = arith.index_cast %parallel_loop3A_359 : i32 to index
        %parallel_loop3A_361 = arith.index_cast %parallel_loop3A_349 : i32 to index
        %parallel_loop3A_362 = arith.constant 0 : index
        %parallel_loop3A_363 = tpu.vector_load %arg6[%parallel_loop3A_360, %parallel_loop3A_361, %parallel_loop3A_362] {strides = array<i32>} : memref<5x128x128xf32, #tpu.memory_space<vmem>>, vector<1x1x16xf32>,
        %parallel_loop3A_364 = vector.shape_cast %parallel_loop3A_363 : vector<1x1x16xf32> to vector<16xf32>
        %parallel_loop3A_365 = vector.shape_cast %parallel_loop3A_358 : vector<16xf32> to vector<1x1x16xf32>
        tpu.vector_store %arg6[%parallel_loop3A_360, %parallel_loop3A_361, %parallel_loop3A_362], %parallel_loop3A_365 {strides = array<i32>} : memref<5x128x128xf32, #tpu.memory_space<vmem>>, vector<1x1x16xf32>,
        %parallel_loop3A_366 = arith.constant 0 : i32
        %parallel_loop3A_367 = arith.index_cast %parallel_loop3A_366 : i32 to index
        %parallel_loop3A_368 = arith.index_cast %parallel_loop3A_349 : i32 to index
        %parallel_loop3A_369 = arith.constant 16 : index
        %parallel_loop3A_370 = tpu.vector_load %arg6[%parallel_loop3A_367, %parallel_loop3A_368, %parallel_loop3A_369] {strides = array<i32>} : memref<5x128x128xf32, #tpu.memory_space<vmem>>, vector<1x1x16xf32>,
        %parallel_loop3A_371 = vector.shape_cast %parallel_loop3A_370 : vector<1x1x16xf32> to vector<16xf32>
        %parallel_loop3A_372 = arith.constant 11.3137083 : f32
        %parallel_loop3A_373 = vector.broadcast %parallel_loop3A_372 : f32 to vector<16xf32>
        %parallel_loop3A_374 = arith.mulf %parallel_loop3A_371, %parallel_loop3A_373 : vector<16xf32>
        %parallel_loop3A_375 = arith.constant 0 : i32
        %parallel_loop3A_376 = arith.index_cast %parallel_loop3A_375 : i32 to index
        %parallel_loop3A_377 = arith.index_cast %parallel_loop3A_349 : i32 to index
        %parallel_loop3A_378 = arith.constant 16 : index
        %parallel_loop3A_379 = tpu.vector_load %arg6[%parallel_loop3A_376, %parallel_loop3A_377, %parallel_loop3A_378] {strides = array<i32>} : memref<5x128x128xf32, #tpu.memory_space<vmem>>, vector<1x1x16xf32>,
        %parallel_loop3A_380 = vector.shape_cast %parallel_loop3A_379 : vector<1x1x16xf32> to vector<16xf32>
        %parallel_loop3A_381 = vector.shape_cast %parallel_loop3A_374 : vector<16xf32> to vector<1x1x16xf32>
        tpu.vector_store %arg6[%parallel_loop3A_376, %parallel_loop3A_377, %parallel_loop3A_378], %parallel_loop3A_381 {strides = array<i32>} : memref<5x128x128xf32, #tpu.memory_space<vmem>>, vector<1x1x16xf32>,
        %parallel_loop3A_382 = arith.constant 0 : i32
        %parallel_loop3A_383 = arith.index_cast %parallel_loop3A_382 : i32 to index
        %parallel_loop3A_384 = arith.index_cast %parallel_loop3A_349 : i32 to index
        %parallel_loop3A_385 = arith.constant 32 : index
        %parallel_loop3A_386 = tpu.vector_load %arg6[%parallel_loop3A_383, %parallel_loop3A_384, %parallel_loop3A_385] {strides = array<i32>} : memref<5x128x128xf32, #tpu.memory_space<vmem>>, vector<1x1x16xf32>,
        %parallel_loop3A_387 = vector.shape_cast %parallel_loop3A_386 : vector<1x1x16xf32> to vector<16xf32>
        %parallel_loop3A_388 = arith.constant 11.3137083 : f32
        %parallel_loop3A_389 = vector.broadcast %parallel_loop3A_388 : f32 to vector<16xf32>
        %parallel_loop3A_390 = arith.mulf %parallel_loop3A_387, %parallel_loop3A_389 : vector<16xf32>
        %parallel_loop3A_391 = arith.constant 0 : i32
        %parallel_loop3A_392 = arith.index_cast %parallel_loop3A_391 : i32 to index
        %parallel_loop3A_393 = arith.index_cast %parallel_loop3A_349 : i32 to index
        %parallel_loop3A_394 = arith.constant 32 : index
        %parallel_loop3A_395 = tpu.vector_load %arg6[%parallel_loop3A_392, %parallel_loop3A_393, %parallel_loop3A_394] {strides = array<i32>} : memref<5x128x128xf32, #tpu.memory_space<vmem>>, vector<1x1x16xf32>,
        %parallel_loop3A_396 = vector.shape_cast %parallel_loop3A_395 : vector<1x1x16xf32> to vector<16xf32>
        %parallel_loop3A_397 = vector.shape_cast %parallel_loop3A_390 : vector<16xf32> to vector<1x1x16xf32>
        tpu.vector_store %arg6[%parallel_loop3A_392, %parallel_loop3A_393, %parallel_loop3A_394], %parallel_loop3A_397 {strides = array<i32>} : memref<5x128x128xf32, #tpu.memory_space<vmem>>, vector<1x1x16xf32>,
        %parallel_loop3A_398 = arith.constant 0 : i32
        %parallel_loop3A_399 = arith.index_cast %parallel_loop3A_398 : i32 to index
        %parallel_loop3A_400 = arith.index_cast %parallel_loop3A_349 : i32 to index
        %parallel_loop3A_401 = arith.constant 48 : index
        %parallel_loop3A_402 = tpu.vector_load %arg6[%parallel_loop3A_399, %parallel_loop3A_400, %parallel_loop3A_401] {strides = array<i32>} : memref<5x128x128xf32, #tpu.memory_space<vmem>>, vector<1x1x16xf32>,
        %parallel_loop3A_403 = vector.shape_cast %parallel_loop3A_402 : vector<1x1x16xf32> to vector<16xf32>
        %parallel_loop3A_404 = arith.constant 11.3137083 : f32
        %parallel_loop3A_405 = vector.broadcast %parallel_loop3A_404 : f32 to vector<16xf32>
        %parallel_loop3A_406 = arith.mulf %parallel_loop3A_403, %parallel_loop3A_405 : vector<16xf32>
        %parallel_loop3A_407 = arith.constant 0 : i32
        %parallel_loop3A_408 = arith.index_cast %parallel_loop3A_407 : i32 to index
        %parallel_loop3A_409 = arith.index_cast %parallel_loop3A_349 : i32 to index
        %parallel_loop3A_410 = arith.constant 48 : index
        %parallel_loop3A_411 = tpu.vector_load %arg6[%parallel_loop3A_408, %parallel_loop3A_409, %parallel_loop3A_410] {strides = array<i32>} : memref<5x128x128xf32, #tpu.memory_space<vmem>>, vector<1x1x16xf32>,
        %parallel_loop3A_412 = vector.shape_cast %parallel_loop3A_411 : vector<1x1x16xf32> to vector<16xf32>
        %parallel_loop3A_413 = vector.shape_cast %parallel_loop3A_406 : vector<16xf32> to vector<1x1x16xf32>
        tpu.vector_store %arg6[%parallel_loop3A_408, %parallel_loop3A_409, %parallel_loop3A_410], %parallel_loop3A_413 {strides = array<i32>} : memref<5x128x128xf32, #tpu.memory_space<vmem>>, vector<1x1x16xf32>,
        %parallel_loop3A_414 = arith.constant 0 : i32
        %parallel_loop3A_415 = arith.index_cast %parallel_loop3A_414 : i32 to index
        %parallel_loop3A_416 = arith.index_cast %parallel_loop3A_349 : i32 to index
        %parallel_loop3A_417 = arith.constant 64 : index
        %parallel_loop3A_418 = tpu.vector_load %arg6[%parallel_loop3A_415, %parallel_loop3A_416, %parallel_loop3A_417] {strides = array<i32>} : memref<5x128x128xf32, #tpu.memory_space<vmem>>, vector<1x1x16xf32>,
        %parallel_loop3A_419 = vector.shape_cast %parallel_loop3A_418 : vector<1x1x16xf32> to vector<16xf32>
        %parallel_loop3A_420 = arith.constant 11.3137083 : f32
        %parallel_loop3A_421 = vector.broadcast %parallel_loop3A_420 : f32 to vector<16xf32>
        %parallel_loop3A_422 = arith.mulf %parallel_loop3A_419, %parallel_loop3A_421 : vector<16xf32>
        %parallel_loop3A_423 = arith.constant 0 : i32
        %parallel_loop3A_424 = arith.index_cast %parallel_loop3A_423 : i32 to index
        %parallel_loop3A_425 = arith.index_cast %parallel_loop3A_349 : i32 to index
        %parallel_loop3A_426 = arith.constant 64 : index
        %parallel_loop3A_427 = tpu.vector_load %arg6[%parallel_loop3A_424, %parallel_loop3A_425, %parallel_loop3A_426] {strides = array<i32>} : memref<5x128x128xf32, #tpu.memory_space<vmem>>, vector<1x1x16xf32>,
        %parallel_loop3A_428 = vector.shape_cast %parallel_loop3A_427 : vector<1x1x16xf32> to vector<16xf32>
        %parallel_loop3A_429 = vector.shape_cast %parallel_loop3A_422 : vector<16xf32> to vector<1x1x16xf32>
        tpu.vector_store %arg6[%parallel_loop3A_424, %parallel_loop3A_425, %parallel_loop3A_426], %parallel_loop3A_429 {strides = array<i32>} : memref<5x128x128xf32, #tpu.memory_space<vmem>>, vector<1x1x16xf32>,
        %parallel_loop3A_430 = arith.constant 0 : i32
        %parallel_loop3A_431 = arith.index_cast %parallel_loop3A_430 : i32 to index
        %parallel_loop3A_432 = arith.index_cast %parallel_loop3A_349 : i32 to index
        %parallel_loop3A_433 = arith.constant 80 : index
        %parallel_loop3A_434 = tpu.vector_load %arg6[%parallel_loop3A_431, %parallel_loop3A_432, %parallel_loop3A_433] {strides = array<i32>} : memref<5x128x128xf32, #tpu.memory_space<vmem>>, vector<1x1x16xf32>,
        %parallel_loop3A_435 = vector.shape_cast %parallel_loop3A_434 : vector<1x1x16xf32> to vector<16xf32>
        %parallel_loop3A_436 = arith.constant 11.3137083 : f32
        %parallel_loop3A_437 = vector.broadcast %parallel_loop3A_436 : f32 to vector<16xf32>
        %parallel_loop3A_438 = arith.mulf %parallel_loop3A_435, %parallel_loop3A_437 : vector<16xf32>
        %parallel_loop3A_439 = arith.constant 0 : i32
        %parallel_loop3A_440 = arith.index_cast %parallel_loop3A_439 : i32 to index
        %parallel_loop3A_441 = arith.index_cast %parallel_loop3A_349 : i32 to index
        %parallel_loop3A_442 = arith.constant 80 : index
        %parallel_loop3A_443 = tpu.vector_load %arg6[%parallel_loop3A_440, %parallel_loop3A_441, %parallel_loop3A_442] {strides = array<i32>} : memref<5x128x128xf32, #tpu.memory_space<vmem>>, vector<1x1x16xf32>,
        %parallel_loop3A_444 = vector.shape_cast %parallel_loop3A_443 : vector<1x1x16xf32> to vector<16xf32>
        %parallel_loop3A_445 = vector.shape_cast %parallel_loop3A_438 : vector<16xf32> to vector<1x1x16xf32>
        tpu.vector_store %arg6[%parallel_loop3A_440, %parallel_loop3A_441, %parallel_loop3A_442], %parallel_loop3A_445 {strides = array<i32>} : memref<5x128x128xf32, #tpu.memory_space<vmem>>, vector<1x1x16xf32>,
        %parallel_loop3A_446 = arith.constant 0 : i32
        %parallel_loop3A_447 = arith.index_cast %parallel_loop3A_446 : i32 to index
        %parallel_loop3A_448 = arith.index_cast %parallel_loop3A_349 : i32 to index
        %parallel_loop3A_449 = arith.constant 96 : index
        %parallel_loop3A_450 = tpu.vector_load %arg6[%parallel_loop3A_447, %parallel_loop3A_448, %parallel_loop3A_449] {strides = array<i32>} : memref<5x128x128xf32, #tpu.memory_space<vmem>>, vector<1x1x16xf32>,
        %parallel_loop3A_451 = vector.shape_cast %parallel_loop3A_450 : vector<1x1x16xf32> to vector<16xf32>
        %parallel_loop3A_452 = arith.constant 11.3137083 : f32
        %parallel_loop3A_453 = vector.broadcast %parallel_loop3A_452 : f32 to vector<16xf32>
        %parallel_loop3A_454 = arith.mulf %parallel_loop3A_451, %parallel_loop3A_453 : vector<16xf32>
        %parallel_loop3A_455 = arith.constant 0 : i32
        %parallel_loop3A_456 = arith.index_cast %parallel_loop3A_455 : i32 to index
        %parallel_loop3A_457 = arith.index_cast %parallel_loop3A_349 : i32 to index
        %parallel_loop3A_458 = arith.constant 96 : index
        %parallel_loop3A_459 = tpu.vector_load %arg6[%parallel_loop3A_456, %parallel_loop3A_457, %parallel_loop3A_458] {strides = array<i32>} : memref<5x128x128xf32, #tpu.memory_space<vmem>>, vector<1x1x16xf32>,
        %parallel_loop3A_460 = vector.shape_cast %parallel_loop3A_459 : vector<1x1x16xf32> to vector<16xf32>
        %parallel_loop3A_461 = vector.shape_cast %parallel_loop3A_454 : vector<16xf32> to vector<1x1x16xf32>
        tpu.vector_store %arg6[%parallel_loop3A_456, %parallel_loop3A_457, %parallel_loop3A_458], %parallel_loop3A_461 {strides = array<i32>} : memref<5x128x128xf32, #tpu.memory_space<vmem>>, vector<1x1x16xf32>,
        %parallel_loop3A_462 = arith.constant 0 : i32
        %parallel_loop3A_463 = arith.index_cast %parallel_loop3A_462 : i32 to index
        %parallel_loop3A_464 = arith.index_cast %parallel_loop3A_349 : i32 to index
        %parallel_loop3A_465 = arith.constant 112 : index
        %parallel_loop3A_466 = tpu.vector_load %arg6[%parallel_loop3A_463, %parallel_loop3A_464, %parallel_loop3A_465] {strides = array<i32>} : memref<5x128x128xf32, #tpu.memory_space<vmem>>, vector<1x1x16xf32>,
        %parallel_loop3A_467 = vector.shape_cast %parallel_loop3A_466 : vector<1x1x16xf32> to vector<16xf32>
        %parallel_loop3A_468 = arith.constant 11.3137083 : f32
        %parallel_loop3A_469 = vector.broadcast %parallel_loop3A_468 : f32 to vector<16xf32>
        %parallel_loop3A_470 = arith.mulf %parallel_loop3A_467, %parallel_loop3A_469 : vector<16xf32>
        %parallel_loop3A_471 = arith.constant 0 : i32
        %parallel_loop3A_472 = arith.index_cast %parallel_loop3A_471 : i32 to index
        %parallel_loop3A_473 = arith.index_cast %parallel_loop3A_349 : i32 to index
        %parallel_loop3A_474 = arith.constant 112 : index
        %parallel_loop3A_475 = tpu.vector_load %arg6[%parallel_loop3A_472, %parallel_loop3A_473, %parallel_loop3A_474] {strides = array<i32>} : memref<5x128x128xf32, #tpu.memory_space<vmem>>, vector<1x1x16xf32>,
        %parallel_loop3A_476 = vector.shape_cast %parallel_loop3A_475 : vector<1x1x16xf32> to vector<16xf32>
        %parallel_loop3A_477 = vector.shape_cast %parallel_loop3A_470 : vector<16xf32> to vector<1x1x16xf32>
        tpu.vector_store %arg6[%parallel_loop3A_472, %parallel_loop3A_473, %parallel_loop3A_474], %parallel_loop3A_477 {strides = array<i32>} : memref<5x128x128xf32, #tpu.memory_space<vmem>>, vector<1x1x16xf32>,
      } {sc.loop_unroll_factor = 4 : i64, sc.parallel_access}
      %mul3A_88 = arith.constant 128 : i32
      %mul3A_89 = arith.muli %add3A_74, %mul3A_88 : i32
      %add3A_90 = arith.addi %mul3A_2, %mul3A_89 : i32
      %dma_start3A_91 = arith.constant 0 : i32
      %dma_start3A_92 = arith.constant 0 : i32
      %dma_start3A_93 = arith.constant 0 : i32
      %dma_start3A_94 = tpu.memref_slice %arg6[%dma_start3A_91, %dma_start3A_92, %dma_start3A_93] : memref<5x128x128xf32, #tpu.memory_space<vmem>> -> memref<1x128x128xf32, #tpu.memory_space<vmem>>
      %dma_start3A_95 = tpu.memref_squeeze %dma_start3A_94 : memref<1x128x128xf32, #tpu.memory_space<vmem>> -> memref<128x128xf32, #tpu.memory_space<vmem>>
      %dma_start3A_96 = arith.constant 0 : i32
      %dma_start3A_97 = tpu.memref_slice %arg4[%add3A_90, %dma_start3A_96] : memref<819200x128xf32, #tpu.memory_space<hbm>> -> memref<128x128xf32, #tpu.memory_space<hbm>>
      %dma_start3A_98 = arith.constant 0 : i32
      %dma_start3A_99 = tpu.memref_slice %arg4[%add3A_90, %dma_start3A_98] : memref<819200x128xf32, #tpu.memory_space<hbm>> -> memref<128x128xf32, #tpu.memory_space<hbm>>
      %dma_start3A_100 = arith.constant 0 : i32
      %dma_start3A_101 = arith.constant 0 : i32
      %dma_start3A_102 = tpu.memref_slice %arg6[%dma_start3A_91, %dma_start3A_100, %dma_start3A_101] : memref<5x128x128xf32, #tpu.memory_space<vmem>> -> memref<1x128x128xf32, #tpu.memory_space<vmem>>
      %dma_start3A_103 = tpu.memref_squeeze %dma_start3A_102 : memref<1x128x128xf32, #tpu.memory_space<vmem>> -> memref<128x128xf32, #tpu.memory_space<vmem>>
      tpu.enqueue_dma source(%dma_start3A_103 : memref<128x128xf32, #tpu.memory_space<vmem>>) target(%dma_start3A_99 : memref<128x128xf32, #tpu.memory_space<hbm>>) target_semaphore(%arg8 : memref<!tpu.dma_semaphore, #tpu.memory_space<semaphore_mem>>)
      %gt3A = arith.constant 0 : i32
      %gt3A_104 = arith.cmpi sgt, %add3A_72, %gt3A : i32
      %convert_element_type3A = arith.extui %gt3A_104 : i1 to i32
      %cond3A = arith.constant 0 : i32
      %cond3A_105 = arith.cmpi ne, %convert_element_type3A, %cond3A : i32
      scf.if %cond3A_105 {
        %sub3A_349 = arith.constant 1 : i32
        %sub3A_350 = arith.subi %add3A_74, %sub3A_349 : i32
        %mul3A_351 = arith.constant 128 : i32
        %mul3A_352 = arith.muli %sub3A_350, %mul3A_351 : i32
        %add3A_353 = arith.addi %mul3A_2, %mul3A_352 : i32
        %dma_wait3A_354 = arith.constant 4 : i32
        %dma_wait3A_355 = arith.constant 0 : i32
        %dma_wait3A_356 = arith.constant 0 : i32
        %dma_wait3A_357 = tpu.memref_slice %arg6[%dma_wait3A_354, %dma_wait3A_355, %dma_wait3A_356] : memref<5x128x128xf32, #tpu.memory_space<vmem>> -> memref<1x128x128xf32, #tpu.memory_space<vmem>>
        %dma_wait3A_358 = tpu.memref_squeeze %dma_wait3A_357 : memref<1x128x128xf32, #tpu.memory_space<vmem>> -> memref<128x128xf32, #tpu.memory_space<vmem>>
        %dma_wait3A_359 = arith.constant 0 : i32
        %dma_wait3A_360 = tpu.memref_slice %arg4[%add3A_353, %dma_wait3A_359] : memref<819200x128xf32, #tpu.memory_space<hbm>> -> memref<128x128xf32, #tpu.memory_space<hbm>>
        %dma_wait3A_361 = arith.constant 0 : i32
        %dma_wait3A_362 = tpu.memref_slice %arg4[%add3A_353, %dma_wait3A_361] : memref<819200x128xf32, #tpu.memory_space<hbm>> -> memref<128x128xf32, #tpu.memory_space<hbm>>
        %dma_wait3A_363 = arith.constant 0 : i32
        %dma_wait3A_364 = arith.constant 0 : i32
        %dma_wait3A_365 = tpu.memref_slice %arg6[%dma_wait3A_354, %dma_wait3A_363, %dma_wait3A_364] : memref<5x128x128xf32, #tpu.memory_space<vmem>> -> memref<1x128x128xf32, #tpu.memory_space<vmem>>
        %dma_wait3A_366 = tpu.memref_squeeze %dma_wait3A_365 : memref<1x128x128xf32, #tpu.memory_space<vmem>> -> memref<128x128xf32, #tpu.memory_space<vmem>>
        tpu.wait_dma2 semaphore(%arg8 : memref<!tpu.dma_semaphore, #tpu.memory_space<semaphore_mem>>) src(%dma_wait3A_366 : memref<128x128xf32, #tpu.memory_space<vmem>>) dst(%dma_wait3A_362 : memref<128x128xf32, #tpu.memory_space<hbm>>)
      } else {
      }
      %add3A_106 = arith.constant 5 : i32
      %add3A_107 = arith.addi %add3A_74, %add3A_106 : i32
      %sub3A = arith.constant 1 : i32
      %sub3A_108 = arith.subi %add3A_107, %sub3A : i32
      %lt3A = arith.constant 200 : i32
      %lt3A_109 = arith.cmpi slt, %sub3A_108, %lt3A : i32
      %convert_element_type3A_110 = arith.extui %lt3A_109 : i1 to i32
      %cond3A_111 = arith.constant 0 : i32
      %cond3A_112 = arith.cmpi ne, %convert_element_type3A_110, %cond3A_111 : i32
      scf.if %cond3A_112 {
        %add3A_349 = arith.constant 5 : i32
        %add3A_350 = arith.addi %add3A_74, %add3A_349 : i32
        %sub3A_351 = arith.constant 1 : i32
        %sub3A_352 = arith.subi %add3A_350, %sub3A_351 : i32
        %dma_start3A_353 = arith.constant 4 : i32
        %dma_start3A_354 = arith.constant 0 : i32
        %dma_start3A_355 = arith.constant 0 : i32
        %dma_start3A_356 = tpu.memref_slice %arg6[%dma_start3A_353, %dma_start3A_354, %dma_start3A_355] : memref<5x128x128xf32, #tpu.memory_space<vmem>> -> memref<1x128x128xf32, #tpu.memory_space<vmem>>
        %dma_start3A_357 = tpu.memref_squeeze %dma_start3A_356 : memref<1x128x128xf32, #tpu.memory_space<vmem>> -> memref<128x128xf32, #tpu.memory_space<vmem>>
        %dma_start3A_358 = arith.constant 0 : i32
        %dma_start3A_359 = tpu.memref_slice %arg5[%sub3A_352, %dma_start3A_358] : memref<200x128xi32, #tpu.memory_space<vmem>> -> memref<1x128xi32, #tpu.memory_space<vmem>>
        %dma_start3A_360 = tpu.memref_squeeze %dma_start3A_359 : memref<1x128xi32, #tpu.memory_space<vmem>> -> memref<128xi32, #tpu.memory_space<vmem>>
        %dma_start3A_361 = arith.constant 0 : i32
        %dma_start3A_362 = arith.constant 0 : i32
        %dma_start3A_363 = tpu.memref_slice %arg3[%dma_start3A_361, %dma_start3A_362] : memref<100000x128xf32, #tpu.memory_space<hbm>> -> memref<100000x128xf32, #tpu.memory_space<hbm>>
        tpu.enqueue_indirect_dma source(%dma_start3A_363 : memref<100000x128xf32, #tpu.memory_space<hbm>>) target(%dma_start3A_357 : memref<128x128xf32, #tpu.memory_space<vmem>>) offsets(%dma_start3A_360 : memref<128xi32, #tpu.memory_space<vmem>>) semaphore(%arg7 : memref<!tpu.dma_semaphore, #tpu.memory_space<semaphore_mem>>)
      } else {
      }
      %add3A_113 = arith.constant 1 : i32
      %add3A_114 = arith.addi %add3A_72, %add3A_113 : i32
      %dma_wait3A_115 = arith.constant 1 : i32
      %dma_wait3A_116 = arith.constant 0 : i32
      %dma_wait3A_117 = arith.constant 0 : i32
      %dma_wait3A_118 = tpu.memref_slice %arg6[%dma_wait3A_115, %dma_wait3A_116, %dma_wait3A_117] : memref<5x128x128xf32, #tpu.memory_space<vmem>> -> memref<1x128x128xf32, #tpu.memory_space<vmem>>
      %dma_wait3A_119 = tpu.memref_squeeze %dma_wait3A_118 : memref<1x128x128xf32, #tpu.memory_space<vmem>> -> memref<128x128xf32, #tpu.memory_space<vmem>>
      %dma_wait3A_120 = arith.constant 0 : i32
      %dma_wait3A_121 = tpu.memref_slice %arg5[%add3A_114, %dma_wait3A_120] : memref<200x128xi32, #tpu.memory_space<vmem>> -> memref<1x128xi32, #tpu.memory_space<vmem>>
      %dma_wait3A_122 = tpu.memref_squeeze %dma_wait3A_121 : memref<1x128xi32, #tpu.memory_space<vmem>> -> memref<128xi32, #tpu.memory_space<vmem>>
      %dma_wait3A_123 = arith.constant 0 : i32
      %dma_wait3A_124 = arith.constant 0 : i32
      %dma_wait3A_125 = tpu.memref_slice %arg3[%dma_wait3A_123, %dma_wait3A_124] : memref<100000x128xf32, #tpu.memory_space<hbm>> -> memref<100000x128xf32, #tpu.memory_space<hbm>>
      tpu.wait_indirect_dma semaphore(%arg7 : memref<!tpu.dma_semaphore, #tpu.memory_space<semaphore_mem>>) src(%dma_wait3A_125 : memref<100000x128xf32, #tpu.memory_space<hbm>>) dst(%dma_wait3A_119 : memref<128x128xf32, #tpu.memory_space<vmem>>)
      %parallel_loop3A_126 = arith.constant 0 : i32
      %parallel_loop3A_127 = arith.constant 128 : i32
      %parallel_loop3A_128 = arith.constant 1 : i32
      scf.for %parallel_loop3A_349 = %parallel_loop3A_126 to %parallel_loop3A_127 step %parallel_loop3A_128  : i32 {
        %parallel_loop3A_350 = arith.constant 1 : i32
        %parallel_loop3A_351 = arith.index_cast %parallel_loop3A_350 : i32 to index
        %parallel_loop3A_352 = arith.index_cast %parallel_loop3A_349 : i32 to index
        %parallel_loop3A_353 = arith.constant 0 : index
        %parallel_loop3A_354 = tpu.vector_load %arg6[%parallel_loop3A_351, %parallel_loop3A_352, %parallel_loop3A_353] {strides = array<i32>} : memref<5x128x128xf32, #tpu.memory_space<vmem>>, vector<1x1x16xf32>,
        %parallel_loop3A_355 = vector.shape_cast %parallel_loop3A_354 : vector<1x1x16xf32> to vector<16xf32>
        %parallel_loop3A_356 = arith.constant 11.3137083 : f32
        %parallel_loop3A_357 = vector.broadcast %parallel_loop3A_356 : f32 to vector<16xf32>
        %parallel_loop3A_358 = arith.mulf %parallel_loop3A_355, %parallel_loop3A_357 : vector<16xf32>
        %parallel_loop3A_359 = arith.constant 1 : i32
        %parallel_loop3A_360 = arith.index_cast %parallel_loop3A_359 : i32 to index
        %parallel_loop3A_361 = arith.index_cast %parallel_loop3A_349 : i32 to index
        %parallel_loop3A_362 = arith.constant 0 : index
        %parallel_loop3A_363 = tpu.vector_load %arg6[%parallel_loop3A_360, %parallel_loop3A_361, %parallel_loop3A_362] {strides = array<i32>} : memref<5x128x128xf32, #tpu.memory_space<vmem>>, vector<1x1x16xf32>,
        %parallel_loop3A_364 = vector.shape_cast %parallel_loop3A_363 : vector<1x1x16xf32> to vector<16xf32>
        %parallel_loop3A_365 = vector.shape_cast %parallel_loop3A_358 : vector<16xf32> to vector<1x1x16xf32>
        tpu.vector_store %arg6[%parallel_loop3A_360, %parallel_loop3A_361, %parallel_loop3A_362], %parallel_loop3A_365 {strides = array<i32>} : memref<5x128x128xf32, #tpu.memory_space<vmem>>, vector<1x1x16xf32>,
        %parallel_loop3A_366 = arith.constant 1 : i32
        %parallel_loop3A_367 = arith.index_cast %parallel_loop3A_366 : i32 to index
        %parallel_loop3A_368 = arith.index_cast %parallel_loop3A_349 : i32 to index
        %parallel_loop3A_369 = arith.constant 16 : index
        %parallel_loop3A_370 = tpu.vector_load %arg6[%parallel_loop3A_367, %parallel_loop3A_368, %parallel_loop3A_369] {strides = array<i32>} : memref<5x128x128xf32, #tpu.memory_space<vmem>>, vector<1x1x16xf32>,
        %parallel_loop3A_371 = vector.shape_cast %parallel_loop3A_370 : vector<1x1x16xf32> to vector<16xf32>
        %parallel_loop3A_372 = arith.constant 11.3137083 : f32
        %parallel_loop3A_373 = vector.broadcast %parallel_loop3A_372 : f32 to vector<16xf32>
        %parallel_loop3A_374 = arith.mulf %parallel_loop3A_371, %parallel_loop3A_373 : vector<16xf32>
        %parallel_loop3A_375 = arith.constant 1 : i32
        %parallel_loop3A_376 = arith.index_cast %parallel_loop3A_375 : i32 to index
        %parallel_loop3A_377 = arith.index_cast %parallel_loop3A_349 : i32 to index
        %parallel_loop3A_378 = arith.constant 16 : index
        %parallel_loop3A_379 = tpu.vector_load %arg6[%parallel_loop3A_376, %parallel_loop3A_377, %parallel_loop3A_378] {strides = array<i32>} : memref<5x128x128xf32, #tpu.memory_space<vmem>>, vector<1x1x16xf32>,
        %parallel_loop3A_380 = vector.shape_cast %parallel_loop3A_379 : vector<1x1x16xf32> to vector<16xf32>
        %parallel_loop3A_381 = vector.shape_cast %parallel_loop3A_374 : vector<16xf32> to vector<1x1x16xf32>
        tpu.vector_store %arg6[%parallel_loop3A_376, %parallel_loop3A_377, %parallel_loop3A_378], %parallel_loop3A_381 {strides = array<i32>} : memref<5x128x128xf32, #tpu.memory_space<vmem>>, vector<1x1x16xf32>,
        %parallel_loop3A_382 = arith.constant 1 : i32
        %parallel_loop3A_383 = arith.index_cast %parallel_loop3A_382 : i32 to index
        %parallel_loop3A_384 = arith.index_cast %parallel_loop3A_349 : i32 to index
        %parallel_loop3A_385 = arith.constant 32 : index
        %parallel_loop3A_386 = tpu.vector_load %arg6[%parallel_loop3A_383, %parallel_loop3A_384, %parallel_loop3A_385] {strides = array<i32>} : memref<5x128x128xf32, #tpu.memory_space<vmem>>, vector<1x1x16xf32>,
        %parallel_loop3A_387 = vector.shape_cast %parallel_loop3A_386 : vector<1x1x16xf32> to vector<16xf32>
        %parallel_loop3A_388 = arith.constant 11.3137083 : f32
        %parallel_loop3A_389 = vector.broadcast %parallel_loop3A_388 : f32 to vector<16xf32>
        %parallel_loop3A_390 = arith.mulf %parallel_loop3A_387, %parallel_loop3A_389 : vector<16xf32>
        %parallel_loop3A_391 = arith.constant 1 : i32
        %parallel_loop3A_392 = arith.index_cast %parallel_loop3A_391 : i32 to index
        %parallel_loop3A_393 = arith.index_cast %parallel_loop3A_349 : i32 to index
        %parallel_loop3A_394 = arith.constant 32 : index
        %parallel_loop3A_395 = tpu.vector_load %arg6[%parallel_loop3A_392, %parallel_loop3A_393, %parallel_loop3A_394] {strides = array<i32>} : memref<5x128x128xf32, #tpu.memory_space<vmem>>, vector<1x1x16xf32>,
        %parallel_loop3A_396 = vector.shape_cast %parallel_loop3A_395 : vector<1x1x16xf32> to vector<16xf32>
        %parallel_loop3A_397 = vector.shape_cast %parallel_loop3A_390 : vector<16xf32> to vector<1x1x16xf32>
        tpu.vector_store %arg6[%parallel_loop3A_392, %parallel_loop3A_393, %parallel_loop3A_394], %parallel_loop3A_397 {strides = array<i32>} : memref<5x128x128xf32, #tpu.memory_space<vmem>>, vector<1x1x16xf32>,
        %parallel_loop3A_398 = arith.constant 1 : i32
        %parallel_loop3A_399 = arith.index_cast %parallel_loop3A_398 : i32 to index
        %parallel_loop3A_400 = arith.index_cast %parallel_loop3A_349 : i32 to index
        %parallel_loop3A_401 = arith.constant 48 : index
        %parallel_loop3A_402 = tpu.vector_load %arg6[%parallel_loop3A_399, %parallel_loop3A_400, %parallel_loop3A_401] {strides = array<i32>} : memref<5x128x128xf32, #tpu.memory_space<vmem>>, vector<1x1x16xf32>,
        %parallel_loop3A_403 = vector.shape_cast %parallel_loop3A_402 : vector<1x1x16xf32> to vector<16xf32>
        %parallel_loop3A_404 = arith.constant 11.3137083 : f32
        %parallel_loop3A_405 = vector.broadcast %parallel_loop3A_404 : f32 to vector<16xf32>
        %parallel_loop3A_406 = arith.mulf %parallel_loop3A_403, %parallel_loop3A_405 : vector<16xf32>
        %parallel_loop3A_407 = arith.constant 1 : i32
        %parallel_loop3A_408 = arith.index_cast %parallel_loop3A_407 : i32 to index
        %parallel_loop3A_409 = arith.index_cast %parallel_loop3A_349 : i32 to index
        %parallel_loop3A_410 = arith.constant 48 : index
        %parallel_loop3A_411 = tpu.vector_load %arg6[%parallel_loop3A_408, %parallel_loop3A_409, %parallel_loop3A_410] {strides = array<i32>} : memref<5x128x128xf32, #tpu.memory_space<vmem>>, vector<1x1x16xf32>,
        %parallel_loop3A_412 = vector.shape_cast %parallel_loop3A_411 : vector<1x1x16xf32> to vector<16xf32>
        %parallel_loop3A_413 = vector.shape_cast %parallel_loop3A_406 : vector<16xf32> to vector<1x1x16xf32>
        tpu.vector_store %arg6[%parallel_loop3A_408, %parallel_loop3A_409, %parallel_loop3A_410], %parallel_loop3A_413 {strides = array<i32>} : memref<5x128x128xf32, #tpu.memory_space<vmem>>, vector<1x1x16xf32>,
        %parallel_loop3A_414 = arith.constant 1 : i32
        %parallel_loop3A_415 = arith.index_cast %parallel_loop3A_414 : i32 to index
        %parallel_loop3A_416 = arith.index_cast %parallel_loop3A_349 : i32 to index
        %parallel_loop3A_417 = arith.constant 64 : index
        %parallel_loop3A_418 = tpu.vector_load %arg6[%parallel_loop3A_415, %parallel_loop3A_416, %parallel_loop3A_417] {strides = array<i32>} : memref<5x128x128xf32, #tpu.memory_space<vmem>>, vector<1x1x16xf32>,
        %parallel_loop3A_419 = vector.shape_cast %parallel_loop3A_418 : vector<1x1x16xf32> to vector<16xf32>
        %parallel_loop3A_420 = arith.constant 11.3137083 : f32
        %parallel_loop3A_421 = vector.broadcast %parallel_loop3A_420 : f32 to vector<16xf32>
        %parallel_loop3A_422 = arith.mulf %parallel_loop3A_419, %parallel_loop3A_421 : vector<16xf32>
        %parallel_loop3A_423 = arith.constant 1 : i32
        %parallel_loop3A_424 = arith.index_cast %parallel_loop3A_423 : i32 to index
        %parallel_loop3A_425 = arith.index_cast %parallel_loop3A_349 : i32 to index
        %parallel_loop3A_426 = arith.constant 64 : index
        %parallel_loop3A_427 = tpu.vector_load %arg6[%parallel_loop3A_424, %parallel_loop3A_425, %parallel_loop3A_426] {strides = array<i32>} : memref<5x128x128xf32, #tpu.memory_space<vmem>>, vector<1x1x16xf32>,
        %parallel_loop3A_428 = vector.shape_cast %parallel_loop3A_427 : vector<1x1x16xf32> to vector<16xf32>
        %parallel_loop3A_429 = vector.shape_cast %parallel_loop3A_422 : vector<16xf32> to vector<1x1x16xf32>
        tpu.vector_store %arg6[%parallel_loop3A_424, %parallel_loop3A_425, %parallel_loop3A_426], %parallel_loop3A_429 {strides = array<i32>} : memref<5x128x128xf32, #tpu.memory_space<vmem>>, vector<1x1x16xf32>,
        %parallel_loop3A_430 = arith.constant 1 : i32
        %parallel_loop3A_431 = arith.index_cast %parallel_loop3A_430 : i32 to index
        %parallel_loop3A_432 = arith.index_cast %parallel_loop3A_349 : i32 to index
        %parallel_loop3A_433 = arith.constant 80 : index
        %parallel_loop3A_434 = tpu.vector_load %arg6[%parallel_loop3A_431, %parallel_loop3A_432, %parallel_loop3A_433] {strides = array<i32>} : memref<5x128x128xf32, #tpu.memory_space<vmem>>, vector<1x1x16xf32>,
        %parallel_loop3A_435 = vector.shape_cast %parallel_loop3A_434 : vector<1x1x16xf32> to vector<16xf32>
        %parallel_loop3A_436 = arith.constant 11.3137083 : f32
        %parallel_loop3A_437 = vector.broadcast %parallel_loop3A_436 : f32 to vector<16xf32>
        %parallel_loop3A_438 = arith.mulf %parallel_loop3A_435, %parallel_loop3A_437 : vector<16xf32>
        %parallel_loop3A_439 = arith.constant 1 : i32
        %parallel_loop3A_440 = arith.index_cast %parallel_loop3A_439 : i32 to index
        %parallel_loop3A_441 = arith.index_cast %parallel_loop3A_349 : i32 to index
        %parallel_loop3A_442 = arith.constant 80 : index
        %parallel_loop3A_443 = tpu.vector_load %arg6[%parallel_loop3A_440, %parallel_loop3A_441, %parallel_loop3A_442] {strides = array<i32>} : memref<5x128x128xf32, #tpu.memory_space<vmem>>, vector<1x1x16xf32>,
        %parallel_loop3A_444 = vector.shape_cast %parallel_loop3A_443 : vector<1x1x16xf32> to vector<16xf32>
        %parallel_loop3A_445 = vector.shape_cast %parallel_loop3A_438 : vector<16xf32> to vector<1x1x16xf32>
        tpu.vector_store %arg6[%parallel_loop3A_440, %parallel_loop3A_441, %parallel_loop3A_442], %parallel_loop3A_445 {strides = array<i32>} : memref<5x128x128xf32, #tpu.memory_space<vmem>>, vector<1x1x16xf32>,
        %parallel_loop3A_446 = arith.constant 1 : i32
        %parallel_loop3A_447 = arith.index_cast %parallel_loop3A_446 : i32 to index
        %parallel_loop3A_448 = arith.index_cast %parallel_loop3A_349 : i32 to index
        %parallel_loop3A_449 = arith.constant 96 : index
        %parallel_loop3A_450 = tpu.vector_load %arg6[%parallel_loop3A_447, %parallel_loop3A_448, %parallel_loop3A_449] {strides = array<i32>} : memref<5x128x128xf32, #tpu.memory_space<vmem>>, vector<1x1x16xf32>,
        %parallel_loop3A_451 = vector.shape_cast %parallel_loop3A_450 : vector<1x1x16xf32> to vector<16xf32>
        %parallel_loop3A_452 = arith.constant 11.3137083 : f32
        %parallel_loop3A_453 = vector.broadcast %parallel_loop3A_452 : f32 to vector<16xf32>
        %parallel_loop3A_454 = arith.mulf %parallel_loop3A_451, %parallel_loop3A_453 : vector<16xf32>
        %parallel_loop3A_455 = arith.constant 1 : i32
        %parallel_loop3A_456 = arith.index_cast %parallel_loop3A_455 : i32 to index
        %parallel_loop3A_457 = arith.index_cast %parallel_loop3A_349 : i32 to index
        %parallel_loop3A_458 = arith.constant 96 : index
        %parallel_loop3A_459 = tpu.vector_load %arg6[%parallel_loop3A_456, %parallel_loop3A_457, %parallel_loop3A_458] {strides = array<i32>} : memref<5x128x128xf32, #tpu.memory_space<vmem>>, vector<1x1x16xf32>,
        %parallel_loop3A_460 = vector.shape_cast %parallel_loop3A_459 : vector<1x1x16xf32> to vector<16xf32>
        %parallel_loop3A_461 = vector.shape_cast %parallel_loop3A_454 : vector<16xf32> to vector<1x1x16xf32>
        tpu.vector_store %arg6[%parallel_loop3A_456, %parallel_loop3A_457, %parallel_loop3A_458], %parallel_loop3A_461 {strides = array<i32>} : memref<5x128x128xf32, #tpu.memory_space<vmem>>, vector<1x1x16xf32>,
        %parallel_loop3A_462 = arith.constant 1 : i32
        %parallel_loop3A_463 = arith.index_cast %parallel_loop3A_462 : i32 to index
        %parallel_loop3A_464 = arith.index_cast %parallel_loop3A_349 : i32 to index
        %parallel_loop3A_465 = arith.constant 112 : index
        %parallel_loop3A_466 = tpu.vector_load %arg6[%parallel_loop3A_463, %parallel_loop3A_464, %parallel_loop3A_465] {strides = array<i32>} : memref<5x128x128xf32, #tpu.memory_space<vmem>>, vector<1x1x16xf32>,
        %parallel_loop3A_467 = vector.shape_cast %parallel_loop3A_466 : vector<1x1x16xf32> to vector<16xf32>
        %parallel_loop3A_468 = arith.constant 11.3137083 : f32
        %parallel_loop3A_469 = vector.broadcast %parallel_loop3A_468 : f32 to vector<16xf32>
        %parallel_loop3A_470 = arith.mulf %parallel_loop3A_467, %parallel_loop3A_469 : vector<16xf32>
        %parallel_loop3A_471 = arith.constant 1 : i32
        %parallel_loop3A_472 = arith.index_cast %parallel_loop3A_471 : i32 to index
        %parallel_loop3A_473 = arith.index_cast %parallel_loop3A_349 : i32 to index
        %parallel_loop3A_474 = arith.constant 112 : index
        %parallel_loop3A_475 = tpu.vector_load %arg6[%parallel_loop3A_472, %parallel_loop3A_473, %parallel_loop3A_474] {strides = array<i32>} : memref<5x128x128xf32, #tpu.memory_space<vmem>>, vector<1x1x16xf32>,
        %parallel_loop3A_476 = vector.shape_cast %parallel_loop3A_475 : vector<1x1x16xf32> to vector<16xf32>
        %parallel_loop3A_477 = vector.shape_cast %parallel_loop3A_470 : vector<16xf32> to vector<1x1x16xf32>
        tpu.vector_store %arg6[%parallel_loop3A_472, %parallel_loop3A_473, %parallel_loop3A_474], %parallel_loop3A_477 {strides = array<i32>} : memref<5x128x128xf32, #tpu.memory_space<vmem>>, vector<1x1x16xf32>,
      } {sc.loop_unroll_factor = 4 : i64, sc.parallel_access}
      %mul3A_129 = arith.constant 128 : i32
      %mul3A_130 = arith.muli %add3A_114, %mul3A_129 : i32
      %add3A_131 = arith.addi %mul3A_2, %mul3A_130 : i32
      %dma_start3A_132 = arith.constant 1 : i32
      %dma_start3A_133 = arith.constant 0 : i32
      %dma_start3A_134 = arith.constant 0 : i32
      %dma_start3A_135 = tpu.memref_slice %arg6[%dma_start3A_132, %dma_start3A_133, %dma_start3A_134] : memref<5x128x128xf32, #tpu.memory_space<vmem>> -> memref<1x128x128xf32, #tpu.memory_space<vmem>>
      %dma_start3A_136 = tpu.memref_squeeze %dma_start3A_135 : memref<1x128x128xf32, #tpu.memory_space<vmem>> -> memref<128x128xf32, #tpu.memory_space<vmem>>
      %dma_start3A_137 = arith.constant 0 : i32
      %dma_start3A_138 = tpu.memref_slice %arg4[%add3A_131, %dma_start3A_137] : memref<819200x128xf32, #tpu.memory_space<hbm>> -> memref<128x128xf32, #tpu.memory_space<hbm>>
      %dma_start3A_139 = arith.constant 0 : i32
      %dma_start3A_140 = tpu.memref_slice %arg4[%add3A_131, %dma_start3A_139] : memref<819200x128xf32, #tpu.memory_space<hbm>> -> memref<128x128xf32, #tpu.memory_space<hbm>>
      %dma_start3A_141 = arith.constant 0 : i32
      %dma_start3A_142 = arith.constant 0 : i32
      %dma_start3A_143 = tpu.memref_slice %arg6[%dma_start3A_132, %dma_start3A_141, %dma_start3A_142] : memref<5x128x128xf32, #tpu.memory_space<vmem>> -> memref<1x128x128xf32, #tpu.memory_space<vmem>>
      %dma_start3A_144 = tpu.memref_squeeze %dma_start3A_143 : memref<1x128x128xf32, #tpu.memory_space<vmem>> -> memref<128x128xf32, #tpu.memory_space<vmem>>
      tpu.enqueue_dma source(%dma_start3A_144 : memref<128x128xf32, #tpu.memory_space<vmem>>) target(%dma_start3A_140 : memref<128x128xf32, #tpu.memory_space<hbm>>) target_semaphore(%arg8 : memref<!tpu.dma_semaphore, #tpu.memory_space<semaphore_mem>>)
      %sub3A_145 = arith.constant 1 : i32
      %sub3A_146 = arith.subi %add3A_114, %sub3A_145 : i32
      %mul3A_147 = arith.constant 128 : i32
      %mul3A_148 = arith.muli %sub3A_146, %mul3A_147 : i32
      %add3A_149 = arith.addi %mul3A_2, %mul3A_148 : i32
      %dma_wait3A_150 = arith.constant 0 : i32
      %dma_wait3A_151 = arith.constant 0 : i32
      %dma_wait3A_152 = arith.constant 0 : i32
      %dma_wait3A_153 = tpu.memref_slice %arg6[%dma_wait3A_150, %dma_wait3A_151, %dma_wait3A_152] : memref<5x128x128xf32, #tpu.memory_space<vmem>> -> memref<1x128x128xf32, #tpu.memory_space<vmem>>
      %dma_wait3A_154 = tpu.memref_squeeze %dma_wait3A_153 : memref<1x128x128xf32, #tpu.memory_space<vmem>> -> memref<128x128xf32, #tpu.memory_space<vmem>>
      %dma_wait3A_155 = arith.constant 0 : i32
      %dma_wait3A_156 = tpu.memref_slice %arg4[%add3A_149, %dma_wait3A_155] : memref<819200x128xf32, #tpu.memory_space<hbm>> -> memref<128x128xf32, #tpu.memory_space<hbm>>
      %dma_wait3A_157 = arith.constant 0 : i32
      %dma_wait3A_158 = tpu.memref_slice %arg4[%add3A_149, %dma_wait3A_157] : memref<819200x128xf32, #tpu.memory_space<hbm>> -> memref<128x128xf32, #tpu.memory_space<hbm>>
      %dma_wait3A_159 = arith.constant 0 : i32
      %dma_wait3A_160 = arith.constant 0 : i32
      %dma_wait3A_161 = tpu.memref_slice %arg6[%dma_wait3A_150, %dma_wait3A_159, %dma_wait3A_160] : memref<5x128x128xf32, #tpu.memory_space<vmem>> -> memref<1x128x128xf32, #tpu.memory_space<vmem>>
      %dma_wait3A_162 = tpu.memref_squeeze %dma_wait3A_161 : memref<1x128x128xf32, #tpu.memory_space<vmem>> -> memref<128x128xf32, #tpu.memory_space<vmem>>
      tpu.wait_dma2 semaphore(%arg8 : memref<!tpu.dma_semaphore, #tpu.memory_space<semaphore_mem>>) src(%dma_wait3A_162 : memref<128x128xf32, #tpu.memory_space<vmem>>) dst(%dma_wait3A_158 : memref<128x128xf32, #tpu.memory_space<hbm>>)
      %add3A_163 = arith.constant 5 : i32
      %add3A_164 = arith.addi %add3A_114, %add3A_163 : i32
      %sub3A_165 = arith.constant 1 : i32
      %sub3A_166 = arith.subi %add3A_164, %sub3A_165 : i32
      %lt3A_167 = arith.constant 200 : i32
      %lt3A_168 = arith.cmpi slt, %sub3A_166, %lt3A_167 : i32
      %convert_element_type3A_169 = arith.extui %lt3A_168 : i1 to i32
      %cond3A_170 = arith.constant 0 : i32
      %cond3A_171 = arith.cmpi ne, %convert_element_type3A_169, %cond3A_170 : i32
      scf.if %cond3A_171 {
        %add3A_349 = arith.constant 5 : i32
        %add3A_350 = arith.addi %add3A_114, %add3A_349 : i32
        %sub3A_351 = arith.constant 1 : i32
        %sub3A_352 = arith.subi %add3A_350, %sub3A_351 : i32
        %dma_start3A_353 = arith.constant 0 : i32
        %dma_start3A_354 = arith.constant 0 : i32
        %dma_start3A_355 = arith.constant 0 : i32
        %dma_start3A_356 = tpu.memref_slice %arg6[%dma_start3A_353, %dma_start3A_354, %dma_start3A_355] : memref<5x128x128xf32, #tpu.memory_space<vmem>> -> memref<1x128x128xf32, #tpu.memory_space<vmem>>
        %dma_start3A_357 = tpu.memref_squeeze %dma_start3A_356 : memref<1x128x128xf32, #tpu.memory_space<vmem>> -> memref<128x128xf32, #tpu.memory_space<vmem>>
        %dma_start3A_358 = arith.constant 0 : i32
        %dma_start3A_359 = tpu.memref_slice %arg5[%sub3A_352, %dma_start3A_358] : memref<200x128xi32, #tpu.memory_space<vmem>> -> memref<1x128xi32, #tpu.memory_space<vmem>>
        %dma_start3A_360 = tpu.memref_squeeze %dma_start3A_359 : memref<1x128xi32, #tpu.memory_space<vmem>> -> memref<128xi32, #tpu.memory_space<vmem>>
        %dma_start3A_361 = arith.constant 0 : i32
        %dma_start3A_362 = arith.constant 0 : i32
        %dma_start3A_363 = tpu.memref_slice %arg3[%dma_start3A_361, %dma_start3A_362] : memref<100000x128xf32, #tpu.memory_space<hbm>> -> memref<100000x128xf32, #tpu.memory_space<hbm>>
        tpu.enqueue_indirect_dma source(%dma_start3A_363 : memref<100000x128xf32, #tpu.memory_space<hbm>>) target(%dma_start3A_357 : memref<128x128xf32, #tpu.memory_space<vmem>>) offsets(%dma_start3A_360 : memref<128xi32, #tpu.memory_space<vmem>>) semaphore(%arg7 : memref<!tpu.dma_semaphore, #tpu.memory_space<semaphore_mem>>)
      } else {
      }
      %add3A_172 = arith.constant 2 : i32
      %add3A_173 = arith.addi %add3A_72, %add3A_172 : i32
      %dma_wait3A_174 = arith.constant 2 : i32
      %dma_wait3A_175 = arith.constant 0 : i32
      %dma_wait3A_176 = arith.constant 0 : i32
      %dma_wait3A_177 = tpu.memref_slice %arg6[%dma_wait3A_174, %dma_wait3A_175, %dma_wait3A_176] : memref<5x128x128xf32, #tpu.memory_space<vmem>> -> memref<1x128x128xf32, #tpu.memory_space<vmem>>
      %dma_wait3A_178 = tpu.memref_squeeze %dma_wait3A_177 : memref<1x128x128xf32, #tpu.memory_space<vmem>> -> memref<128x128xf32, #tpu.memory_space<vmem>>
      %dma_wait3A_179 = arith.constant 0 : i32
      %dma_wait3A_180 = tpu.memref_slice %arg5[%add3A_173, %dma_wait3A_179] : memref<200x128xi32, #tpu.memory_space<vmem>> -> memref<1x128xi32, #tpu.memory_space<vmem>>
      %dma_wait3A_181 = tpu.memref_squeeze %dma_wait3A_180 : memref<1x128xi32, #tpu.memory_space<vmem>> -> memref<128xi32, #tpu.memory_space<vmem>>
      %dma_wait3A_182 = arith.constant 0 : i32
      %dma_wait3A_183 = arith.constant 0 : i32
      %dma_wait3A_184 = tpu.memref_slice %arg3[%dma_wait3A_182, %dma_wait3A_183] : memref<100000x128xf32, #tpu.memory_space<hbm>> -> memref<100000x128xf32, #tpu.memory_space<hbm>>
      tpu.wait_indirect_dma semaphore(%arg7 : memref<!tpu.dma_semaphore, #tpu.memory_space<semaphore_mem>>) src(%dma_wait3A_184 : memref<100000x128xf32, #tpu.memory_space<hbm>>) dst(%dma_wait3A_178 : memref<128x128xf32, #tpu.memory_space<vmem>>)
      %parallel_loop3A_185 = arith.constant 0 : i32
      %parallel_loop3A_186 = arith.constant 128 : i32
      %parallel_loop3A_187 = arith.constant 1 : i32
      scf.for %parallel_loop3A_349 = %parallel_loop3A_185 to %parallel_loop3A_186 step %parallel_loop3A_187  : i32 {
        %parallel_loop3A_350 = arith.constant 2 : i32
        %parallel_loop3A_351 = arith.index_cast %parallel_loop3A_350 : i32 to index
        %parallel_loop3A_352 = arith.index_cast %parallel_loop3A_349 : i32 to index
        %parallel_loop3A_353 = arith.constant 0 : index
        %parallel_loop3A_354 = tpu.vector_load %arg6[%parallel_loop3A_351, %parallel_loop3A_352, %parallel_loop3A_353] {strides = array<i32>} : memref<5x128x128xf32, #tpu.memory_space<vmem>>, vector<1x1x16xf32>,
        %parallel_loop3A_355 = vector.shape_cast %parallel_loop3A_354 : vector<1x1x16xf32> to vector<16xf32>
        %parallel_loop3A_356 = arith.constant 11.3137083 : f32
        %parallel_loop3A_357 = vector.broadcast %parallel_loop3A_356 : f32 to vector<16xf32>
        %parallel_loop3A_358 = arith.mulf %parallel_loop3A_355, %parallel_loop3A_357 : vector<16xf32>
        %parallel_loop3A_359 = arith.constant 2 : i32
        %parallel_loop3A_360 = arith.index_cast %parallel_loop3A_359 : i32 to index
        %parallel_loop3A_361 = arith.index_cast %parallel_loop3A_349 : i32 to index
        %parallel_loop3A_362 = arith.constant 0 : index
        %parallel_loop3A_363 = tpu.vector_load %arg6[%parallel_loop3A_360, %parallel_loop3A_361, %parallel_loop3A_362] {strides = array<i32>} : memref<5x128x128xf32, #tpu.memory_space<vmem>>, vector<1x1x16xf32>,
        %parallel_loop3A_364 = vector.shape_cast %parallel_loop3A_363 : vector<1x1x16xf32> to vector<16xf32>
        %parallel_loop3A_365 = vector.shape_cast %parallel_loop3A_358 : vector<16xf32> to vector<1x1x16xf32>
        tpu.vector_store %arg6[%parallel_loop3A_360, %parallel_loop3A_361, %parallel_loop3A_362], %parallel_loop3A_365 {strides = array<i32>} : memref<5x128x128xf32, #tpu.memory_space<vmem>>, vector<1x1x16xf32>,
        %parallel_loop3A_366 = arith.constant 2 : i32
        %parallel_loop3A_367 = arith.index_cast %parallel_loop3A_366 : i32 to index
        %parallel_loop3A_368 = arith.index_cast %parallel_loop3A_349 : i32 to index
        %parallel_loop3A_369 = arith.constant 16 : index
        %parallel_loop3A_370 = tpu.vector_load %arg6[%parallel_loop3A_367, %parallel_loop3A_368, %parallel_loop3A_369] {strides = array<i32>} : memref<5x128x128xf32, #tpu.memory_space<vmem>>, vector<1x1x16xf32>,
        %parallel_loop3A_371 = vector.shape_cast %parallel_loop3A_370 : vector<1x1x16xf32> to vector<16xf32>
        %parallel_loop3A_372 = arith.constant 11.3137083 : f32
        %parallel_loop3A_373 = vector.broadcast %parallel_loop3A_372 : f32 to vector<16xf32>
        %parallel_loop3A_374 = arith.mulf %parallel_loop3A_371, %parallel_loop3A_373 : vector<16xf32>
        %parallel_loop3A_375 = arith.constant 2 : i32
        %parallel_loop3A_376 = arith.index_cast %parallel_loop3A_375 : i32 to index
        %parallel_loop3A_377 = arith.index_cast %parallel_loop3A_349 : i32 to index
        %parallel_loop3A_378 = arith.constant 16 : index
        %parallel_loop3A_379 = tpu.vector_load %arg6[%parallel_loop3A_376, %parallel_loop3A_377, %parallel_loop3A_378] {strides = array<i32>} : memref<5x128x128xf32, #tpu.memory_space<vmem>>, vector<1x1x16xf32>,
        %parallel_loop3A_380 = vector.shape_cast %parallel_loop3A_379 : vector<1x1x16xf32> to vector<16xf32>
        %parallel_loop3A_381 = vector.shape_cast %parallel_loop3A_374 : vector<16xf32> to vector<1x1x16xf32>
        tpu.vector_store %arg6[%parallel_loop3A_376, %parallel_loop3A_377, %parallel_loop3A_378], %parallel_loop3A_381 {strides = array<i32>} : memref<5x128x128xf32, #tpu.memory_space<vmem>>, vector<1x1x16xf32>,
        %parallel_loop3A_382 = arith.constant 2 : i32
        %parallel_loop3A_383 = arith.index_cast %parallel_loop3A_382 : i32 to index
        %parallel_loop3A_384 = arith.index_cast %parallel_loop3A_349 : i32 to index
        %parallel_loop3A_385 = arith.constant 32 : index
        %parallel_loop3A_386 = tpu.vector_load %arg6[%parallel_loop3A_383, %parallel_loop3A_384, %parallel_loop3A_385] {strides = array<i32>} : memref<5x128x128xf32, #tpu.memory_space<vmem>>, vector<1x1x16xf32>,
        %parallel_loop3A_387 = vector.shape_cast %parallel_loop3A_386 : vector<1x1x16xf32> to vector<16xf32>
        %parallel_loop3A_388 = arith.constant 11.3137083 : f32
        %parallel_loop3A_389 = vector.broadcast %parallel_loop3A_388 : f32 to vector<16xf32>
        %parallel_loop3A_390 = arith.mulf %parallel_loop3A_387, %parallel_loop3A_389 : vector<16xf32>
        %parallel_loop3A_391 = arith.constant 2 : i32
        %parallel_loop3A_392 = arith.index_cast %parallel_loop3A_391 : i32 to index
        %parallel_loop3A_393 = arith.index_cast %parallel_loop3A_349 : i32 to index
        %parallel_loop3A_394 = arith.constant 32 : index
        %parallel_loop3A_395 = tpu.vector_load %arg6[%parallel_loop3A_392, %parallel_loop3A_393, %parallel_loop3A_394] {strides = array<i32>} : memref<5x128x128xf32, #tpu.memory_space<vmem>>, vector<1x1x16xf32>,
        %parallel_loop3A_396 = vector.shape_cast %parallel_loop3A_395 : vector<1x1x16xf32> to vector<16xf32>
        %parallel_loop3A_397 = vector.shape_cast %parallel_loop3A_390 : vector<16xf32> to vector<1x1x16xf32>
        tpu.vector_store %arg6[%parallel_loop3A_392, %parallel_loop3A_393, %parallel_loop3A_394], %parallel_loop3A_397 {strides = array<i32>} : memref<5x128x128xf32, #tpu.memory_space<vmem>>, vector<1x1x16xf32>,
        %parallel_loop3A_398 = arith.constant 2 : i32
        %parallel_loop3A_399 = arith.index_cast %parallel_loop3A_398 : i32 to index
        %parallel_loop3A_400 = arith.index_cast %parallel_loop3A_349 : i32 to index
        %parallel_loop3A_401 = arith.constant 48 : index
        %parallel_loop3A_402 = tpu.vector_load %arg6[%parallel_loop3A_399, %parallel_loop3A_400, %parallel_loop3A_401] {strides = array<i32>} : memref<5x128x128xf32, #tpu.memory_space<vmem>>, vector<1x1x16xf32>,
        %parallel_loop3A_403 = vector.shape_cast %parallel_loop3A_402 : vector<1x1x16xf32> to vector<16xf32>
        %parallel_loop3A_404 = arith.constant 11.3137083 : f32
        %parallel_loop3A_405 = vector.broadcast %parallel_loop3A_404 : f32 to vector<16xf32>
        %parallel_loop3A_406 = arith.mulf %parallel_loop3A_403, %parallel_loop3A_405 : vector<16xf32>
        %parallel_loop3A_407 = arith.constant 2 : i32
        %parallel_loop3A_408 = arith.index_cast %parallel_loop3A_407 : i32 to index
        %parallel_loop3A_409 = arith.index_cast %parallel_loop3A_349 : i32 to index
        %parallel_loop3A_410 = arith.constant 48 : index
        %parallel_loop3A_411 = tpu.vector_load %arg6[%parallel_loop3A_408, %parallel_loop3A_409, %parallel_loop3A_410] {strides = array<i32>} : memref<5x128x128xf32, #tpu.memory_space<vmem>>, vector<1x1x16xf32>,
        %parallel_loop3A_412 = vector.shape_cast %parallel_loop3A_411 : vector<1x1x16xf32> to vector<16xf32>
        %parallel_loop3A_413 = vector.shape_cast %parallel_loop3A_406 : vector<16xf32> to vector<1x1x16xf32>
        tpu.vector_store %arg6[%parallel_loop3A_408, %parallel_loop3A_409, %parallel_loop3A_410], %parallel_loop3A_413 {strides = array<i32>} : memref<5x128x128xf32, #tpu.memory_space<vmem>>, vector<1x1x16xf32>,
        %parallel_loop3A_414 = arith.constant 2 : i32
        %parallel_loop3A_415 = arith.index_cast %parallel_loop3A_414 : i32 to index
        %parallel_loop3A_416 = arith.index_cast %parallel_loop3A_349 : i32 to index
        %parallel_loop3A_417 = arith.constant 64 : index
        %parallel_loop3A_418 = tpu.vector_load %arg6[%parallel_loop3A_415, %parallel_loop3A_416, %parallel_loop3A_417] {strides = array<i32>} : memref<5x128x128xf32, #tpu.memory_space<vmem>>, vector<1x1x16xf32>,
        %parallel_loop3A_419 = vector.shape_cast %parallel_loop3A_418 : vector<1x1x16xf32> to vector<16xf32>
        %parallel_loop3A_420 = arith.constant 11.3137083 : f32
        %parallel_loop3A_421 = vector.broadcast %parallel_loop3A_420 : f32 to vector<16xf32>
        %parallel_loop3A_422 = arith.mulf %parallel_loop3A_419, %parallel_loop3A_421 : vector<16xf32>
        %parallel_loop3A_423 = arith.constant 2 : i32
        %parallel_loop3A_424 = arith.index_cast %parallel_loop3A_423 : i32 to index
        %parallel_loop3A_425 = arith.index_cast %parallel_loop3A_349 : i32 to index
        %parallel_loop3A_426 = arith.constant 64 : index
        %parallel_loop3A_427 = tpu.vector_load %arg6[%parallel_loop3A_424, %parallel_loop3A_425, %parallel_loop3A_426] {strides = array<i32>} : memref<5x128x128xf32, #tpu.memory_space<vmem>>, vector<1x1x16xf32>,
        %parallel_loop3A_428 = vector.shape_cast %parallel_loop3A_427 : vector<1x1x16xf32> to vector<16xf32>
        %parallel_loop3A_429 = vector.shape_cast %parallel_loop3A_422 : vector<16xf32> to vector<1x1x16xf32>
        tpu.vector_store %arg6[%parallel_loop3A_424, %parallel_loop3A_425, %parallel_loop3A_426], %parallel_loop3A_429 {strides = array<i32>} : memref<5x128x128xf32, #tpu.memory_space<vmem>>, vector<1x1x16xf32>,
        %parallel_loop3A_430 = arith.constant 2 : i32
        %parallel_loop3A_431 = arith.index_cast %parallel_loop3A_430 : i32 to index
        %parallel_loop3A_432 = arith.index_cast %parallel_loop3A_349 : i32 to index
        %parallel_loop3A_433 = arith.constant 80 : index
        %parallel_loop3A_434 = tpu.vector_load %arg6[%parallel_loop3A_431, %parallel_loop3A_432, %parallel_loop3A_433] {strides = array<i32>} : memref<5x128x128xf32, #tpu.memory_space<vmem>>, vector<1x1x16xf32>,
        %parallel_loop3A_435 = vector.shape_cast %parallel_loop3A_434 : vector<1x1x16xf32> to vector<16xf32>
        %parallel_loop3A_436 = arith.constant 11.3137083 : f32
        %parallel_loop3A_437 = vector.broadcast %parallel_loop3A_436 : f32 to vector<16xf32>
        %parallel_loop3A_438 = arith.mulf %parallel_loop3A_435, %parallel_loop3A_437 : vector<16xf32>
        %parallel_loop3A_439 = arith.constant 2 : i32
        %parallel_loop3A_440 = arith.index_cast %parallel_loop3A_439 : i32 to index
        %parallel_loop3A_441 = arith.index_cast %parallel_loop3A_349 : i32 to index
        %parallel_loop3A_442 = arith.constant 80 : index
        %parallel_loop3A_443 = tpu.vector_load %arg6[%parallel_loop3A_440, %parallel_loop3A_441, %parallel_loop3A_442] {strides = array<i32>} : memref<5x128x128xf32, #tpu.memory_space<vmem>>, vector<1x1x16xf32>,
        %parallel_loop3A_444 = vector.shape_cast %parallel_loop3A_443 : vector<1x1x16xf32> to vector<16xf32>
        %parallel_loop3A_445 = vector.shape_cast %parallel_loop3A_438 : vector<16xf32> to vector<1x1x16xf32>
        tpu.vector_store %arg6[%parallel_loop3A_440, %parallel_loop3A_441, %parallel_loop3A_442], %parallel_loop3A_445 {strides = array<i32>} : memref<5x128x128xf32, #tpu.memory_space<vmem>>, vector<1x1x16xf32>,
        %parallel_loop3A_446 = arith.constant 2 : i32
        %parallel_loop3A_447 = arith.index_cast %parallel_loop3A_446 : i32 to index
        %parallel_loop3A_448 = arith.index_cast %parallel_loop3A_349 : i32 to index
        %parallel_loop3A_449 = arith.constant 96 : index
        %parallel_loop3A_450 = tpu.vector_load %arg6[%parallel_loop3A_447, %parallel_loop3A_448, %parallel_loop3A_449] {strides = array<i32>} : memref<5x128x128xf32, #tpu.memory_space<vmem>>, vector<1x1x16xf32>,
        %parallel_loop3A_451 = vector.shape_cast %parallel_loop3A_450 : vector<1x1x16xf32> to vector<16xf32>
        %parallel_loop3A_452 = arith.constant 11.3137083 : f32
        %parallel_loop3A_453 = vector.broadcast %parallel_loop3A_452 : f32 to vector<16xf32>
        %parallel_loop3A_454 = arith.mulf %parallel_loop3A_451, %parallel_loop3A_453 : vector<16xf32>
        %parallel_loop3A_455 = arith.constant 2 : i32
        %parallel_loop3A_456 = arith.index_cast %parallel_loop3A_455 : i32 to index
        %parallel_loop3A_457 = arith.index_cast %parallel_loop3A_349 : i32 to index
        %parallel_loop3A_458 = arith.constant 96 : index
        %parallel_loop3A_459 = tpu.vector_load %arg6[%parallel_loop3A_456, %parallel_loop3A_457, %parallel_loop3A_458] {strides = array<i32>} : memref<5x128x128xf32, #tpu.memory_space<vmem>>, vector<1x1x16xf32>,
        %parallel_loop3A_460 = vector.shape_cast %parallel_loop3A_459 : vector<1x1x16xf32> to vector<16xf32>
        %parallel_loop3A_461 = vector.shape_cast %parallel_loop3A_454 : vector<16xf32> to vector<1x1x16xf32>
        tpu.vector_store %arg6[%parallel_loop3A_456, %parallel_loop3A_457, %parallel_loop3A_458], %parallel_loop3A_461 {strides = array<i32>} : memref<5x128x128xf32, #tpu.memory_space<vmem>>, vector<1x1x16xf32>,
        %parallel_loop3A_462 = arith.constant 2 : i32
        %parallel_loop3A_463 = arith.index_cast %parallel_loop3A_462 : i32 to index
        %parallel_loop3A_464 = arith.index_cast %parallel_loop3A_349 : i32 to index
        %parallel_loop3A_465 = arith.constant 112 : index
        %parallel_loop3A_466 = tpu.vector_load %arg6[%parallel_loop3A_463, %parallel_loop3A_464, %parallel_loop3A_465] {strides = array<i32>} : memref<5x128x128xf32, #tpu.memory_space<vmem>>, vector<1x1x16xf32>,
        %parallel_loop3A_467 = vector.shape_cast %parallel_loop3A_466 : vector<1x1x16xf32> to vector<16xf32>
        %parallel_loop3A_468 = arith.constant 11.3137083 : f32
        %parallel_loop3A_469 = vector.broadcast %parallel_loop3A_468 : f32 to vector<16xf32>
        %parallel_loop3A_470 = arith.mulf %parallel_loop3A_467, %parallel_loop3A_469 : vector<16xf32>
        %parallel_loop3A_471 = arith.constant 2 : i32
        %parallel_loop3A_472 = arith.index_cast %parallel_loop3A_471 : i32 to index
        %parallel_loop3A_473 = arith.index_cast %parallel_loop3A_349 : i32 to index
        %parallel_loop3A_474 = arith.constant 112 : index
        %parallel_loop3A_475 = tpu.vector_load %arg6[%parallel_loop3A_472, %parallel_loop3A_473, %parallel_loop3A_474] {strides = array<i32>} : memref<5x128x128xf32, #tpu.memory_space<vmem>>, vector<1x1x16xf32>,
        %parallel_loop3A_476 = vector.shape_cast %parallel_loop3A_475 : vector<1x1x16xf32> to vector<16xf32>
        %parallel_loop3A_477 = vector.shape_cast %parallel_loop3A_470 : vector<16xf32> to vector<1x1x16xf32>
        tpu.vector_store %arg6[%parallel_loop3A_472, %parallel_loop3A_473, %parallel_loop3A_474], %parallel_loop3A_477 {strides = array<i32>} : memref<5x128x128xf32, #tpu.memory_space<vmem>>, vector<1x1x16xf32>,
      } {sc.loop_unroll_factor = 4 : i64, sc.parallel_access}
      %mul3A_188 = arith.constant 128 : i32
      %mul3A_189 = arith.muli %add3A_173, %mul3A_188 : i32
      %add3A_190 = arith.addi %mul3A_2, %mul3A_189 : i32
      %dma_start3A_191 = arith.constant 2 : i32
      %dma_start3A_192 = arith.constant 0 : i32
      %dma_start3A_193 = arith.constant 0 : i32
      %dma_start3A_194 = tpu.memref_slice %arg6[%dma_start3A_191, %dma_start3A_192, %dma_start3A_193] : memref<5x128x128xf32, #tpu.memory_space<vmem>> -> memref<1x128x128xf32, #tpu.memory_space<vmem>>
      %dma_start3A_195 = tpu.memref_squeeze %dma_start3A_194 : memref<1x128x128xf32, #tpu.memory_space<vmem>> -> memref<128x128xf32, #tpu.memory_space<vmem>>
      %dma_start3A_196 = arith.constant 0 : i32
      %dma_start3A_197 = tpu.memref_slice %arg4[%add3A_190, %dma_start3A_196] : memref<819200x128xf32, #tpu.memory_space<hbm>> -> memref<128x128xf32, #tpu.memory_space<hbm>>
      %dma_start3A_198 = arith.constant 0 : i32
      %dma_start3A_199 = tpu.memref_slice %arg4[%add3A_190, %dma_start3A_198] : memref<819200x128xf32, #tpu.memory_space<hbm>> -> memref<128x128xf32, #tpu.memory_space<hbm>>
      %dma_start3A_200 = arith.constant 0 : i32
      %dma_start3A_201 = arith.constant 0 : i32
      %dma_start3A_202 = tpu.memref_slice %arg6[%dma_start3A_191, %dma_start3A_200, %dma_start3A_201] : memref<5x128x128xf32, #tpu.memory_space<vmem>> -> memref<1x128x128xf32, #tpu.memory_space<vmem>>
      %dma_start3A_203 = tpu.memref_squeeze %dma_start3A_202 : memref<1x128x128xf32, #tpu.memory_space<vmem>> -> memref<128x128xf32, #tpu.memory_space<vmem>>
      tpu.enqueue_dma source(%dma_start3A_203 : memref<128x128xf32, #tpu.memory_space<vmem>>) target(%dma_start3A_199 : memref<128x128xf32, #tpu.memory_space<hbm>>) target_semaphore(%arg8 : memref<!tpu.dma_semaphore, #tpu.memory_space<semaphore_mem>>)
      %sub3A_204 = arith.constant 1 : i32
      %sub3A_205 = arith.subi %add3A_173, %sub3A_204 : i32
      %mul3A_206 = arith.constant 128 : i32
      %mul3A_207 = arith.muli %sub3A_205, %mul3A_206 : i32
      %add3A_208 = arith.addi %mul3A_2, %mul3A_207 : i32
      %dma_wait3A_209 = arith.constant 1 : i32
      %dma_wait3A_210 = arith.constant 0 : i32
      %dma_wait3A_211 = arith.constant 0 : i32
      %dma_wait3A_212 = tpu.memref_slice %arg6[%dma_wait3A_209, %dma_wait3A_210, %dma_wait3A_211] : memref<5x128x128xf32, #tpu.memory_space<vmem>> -> memref<1x128x128xf32, #tpu.memory_space<vmem>>
      %dma_wait3A_213 = tpu.memref_squeeze %dma_wait3A_212 : memref<1x128x128xf32, #tpu.memory_space<vmem>> -> memref<128x128xf32, #tpu.memory_space<vmem>>
      %dma_wait3A_214 = arith.constant 0 : i32
      %dma_wait3A_215 = tpu.memref_slice %arg4[%add3A_208, %dma_wait3A_214] : memref<819200x128xf32, #tpu.memory_space<hbm>> -> memref<128x128xf32, #tpu.memory_space<hbm>>
      %dma_wait3A_216 = arith.constant 0 : i32
      %dma_wait3A_217 = tpu.memref_slice %arg4[%add3A_208, %dma_wait3A_216] : memref<819200x128xf32, #tpu.memory_space<hbm>> -> memref<128x128xf32, #tpu.memory_space<hbm>>
      %dma_wait3A_218 = arith.constant 0 : i32
      %dma_wait3A_219 = arith.constant 0 : i32
      %dma_wait3A_220 = tpu.memref_slice %arg6[%dma_wait3A_209, %dma_wait3A_218, %dma_wait3A_219] : memref<5x128x128xf32, #tpu.memory_space<vmem>> -> memref<1x128x128xf32, #tpu.memory_space<vmem>>
      %dma_wait3A_221 = tpu.memref_squeeze %dma_wait3A_220 : memref<1x128x128xf32, #tpu.memory_space<vmem>> -> memref<128x128xf32, #tpu.memory_space<vmem>>
      tpu.wait_dma2 semaphore(%arg8 : memref<!tpu.dma_semaphore, #tpu.memory_space<semaphore_mem>>) src(%dma_wait3A_221 : memref<128x128xf32, #tpu.memory_space<vmem>>) dst(%dma_wait3A_217 : memref<128x128xf32, #tpu.memory_space<hbm>>)
      %add3A_222 = arith.constant 5 : i32
      %add3A_223 = arith.addi %add3A_173, %add3A_222 : i32
      %sub3A_224 = arith.constant 1 : i32
      %sub3A_225 = arith.subi %add3A_223, %sub3A_224 : i32
      %lt3A_226 = arith.constant 200 : i32
      %lt3A_227 = arith.cmpi slt, %sub3A_225, %lt3A_226 : i32
      %convert_element_type3A_228 = arith.extui %lt3A_227 : i1 to i32
      %cond3A_229 = arith.constant 0 : i32
      %cond3A_230 = arith.cmpi ne, %convert_element_type3A_228, %cond3A_229 : i32
      scf.if %cond3A_230 {
        %add3A_349 = arith.constant 5 : i32
        %add3A_350 = arith.addi %add3A_173, %add3A_349 : i32
        %sub3A_351 = arith.constant 1 : i32
        %sub3A_352 = arith.subi %add3A_350, %sub3A_351 : i32
        %dma_start3A_353 = arith.constant 1 : i32
        %dma_start3A_354 = arith.constant 0 : i32
        %dma_start3A_355 = arith.constant 0 : i32
        %dma_start3A_356 = tpu.memref_slice %arg6[%dma_start3A_353, %dma_start3A_354, %dma_start3A_355] : memref<5x128x128xf32, #tpu.memory_space<vmem>> -> memref<1x128x128xf32, #tpu.memory_space<vmem>>
        %dma_start3A_357 = tpu.memref_squeeze %dma_start3A_356 : memref<1x128x128xf32, #tpu.memory_space<vmem>> -> memref<128x128xf32, #tpu.memory_space<vmem>>
        %dma_start3A_358 = arith.constant 0 : i32
        %dma_start3A_359 = tpu.memref_slice %arg5[%sub3A_352, %dma_start3A_358] : memref<200x128xi32, #tpu.memory_space<vmem>> -> memref<1x128xi32, #tpu.memory_space<vmem>>
        %dma_start3A_360 = tpu.memref_squeeze %dma_start3A_359 : memref<1x128xi32, #tpu.memory_space<vmem>> -> memref<128xi32, #tpu.memory_space<vmem>>
        %dma_start3A_361 = arith.constant 0 : i32
        %dma_start3A_362 = arith.constant 0 : i32
        %dma_start3A_363 = tpu.memref_slice %arg3[%dma_start3A_361, %dma_start3A_362] : memref<100000x128xf32, #tpu.memory_space<hbm>> -> memref<100000x128xf32, #tpu.memory_space<hbm>>
        tpu.enqueue_indirect_dma source(%dma_start3A_363 : memref<100000x128xf32, #tpu.memory_space<hbm>>) target(%dma_start3A_357 : memref<128x128xf32, #tpu.memory_space<vmem>>) offsets(%dma_start3A_360 : memref<128xi32, #tpu.memory_space<vmem>>) semaphore(%arg7 : memref<!tpu.dma_semaphore, #tpu.memory_space<semaphore_mem>>)
      } else {
      }
      %add3A_231 = arith.constant 3 : i32
      %add3A_232 = arith.addi %add3A_72, %add3A_231 : i32
      %dma_wait3A_233 = arith.constant 3 : i32
      %dma_wait3A_234 = arith.constant 0 : i32
      %dma_wait3A_235 = arith.constant 0 : i32
      %dma_wait3A_236 = tpu.memref_slice %arg6[%dma_wait3A_233, %dma_wait3A_234, %dma_wait3A_235] : memref<5x128x128xf32, #tpu.memory_space<vmem>> -> memref<1x128x128xf32, #tpu.memory_space<vmem>>
      %dma_wait3A_237 = tpu.memref_squeeze %dma_wait3A_236 : memref<1x128x128xf32, #tpu.memory_space<vmem>> -> memref<128x128xf32, #tpu.memory_space<vmem>>
      %dma_wait3A_238 = arith.constant 0 : i32
      %dma_wait3A_239 = tpu.memref_slice %arg5[%add3A_232, %dma_wait3A_238] : memref<200x128xi32, #tpu.memory_space<vmem>> -> memref<1x128xi32, #tpu.memory_space<vmem>>
      %dma_wait3A_240 = tpu.memref_squeeze %dma_wait3A_239 : memref<1x128xi32, #tpu.memory_space<vmem>> -> memref<128xi32, #tpu.memory_space<vmem>>
      %dma_wait3A_241 = arith.constant 0 : i32
      %dma_wait3A_242 = arith.constant 0 : i32
      %dma_wait3A_243 = tpu.memref_slice %arg3[%dma_wait3A_241, %dma_wait3A_242] : memref<100000x128xf32, #tpu.memory_space<hbm>> -> memref<100000x128xf32, #tpu.memory_space<hbm>>
      tpu.wait_indirect_dma semaphore(%arg7 : memref<!tpu.dma_semaphore, #tpu.memory_space<semaphore_mem>>) src(%dma_wait3A_243 : memref<100000x128xf32, #tpu.memory_space<hbm>>) dst(%dma_wait3A_237 : memref<128x128xf32, #tpu.memory_space<vmem>>)
      %parallel_loop3A_244 = arith.constant 0 : i32
      %parallel_loop3A_245 = arith.constant 128 : i32
      %parallel_loop3A_246 = arith.constant 1 : i32
      scf.for %parallel_loop3A_349 = %parallel_loop3A_244 to %parallel_loop3A_245 step %parallel_loop3A_246  : i32 {
        %parallel_loop3A_350 = arith.constant 3 : i32
        %parallel_loop3A_351 = arith.index_cast %parallel_loop3A_350 : i32 to index
        %parallel_loop3A_352 = arith.index_cast %parallel_loop3A_349 : i32 to index
        %parallel_loop3A_353 = arith.constant 0 : index
        %parallel_loop3A_354 = tpu.vector_load %arg6[%parallel_loop3A_351, %parallel_loop3A_352, %parallel_loop3A_353] {strides = array<i32>} : memref<5x128x128xf32, #tpu.memory_space<vmem>>, vector<1x1x16xf32>,
        %parallel_loop3A_355 = vector.shape_cast %parallel_loop3A_354 : vector<1x1x16xf32> to vector<16xf32>
        %parallel_loop3A_356 = arith.constant 11.3137083 : f32
        %parallel_loop3A_357 = vector.broadcast %parallel_loop3A_356 : f32 to vector<16xf32>
        %parallel_loop3A_358 = arith.mulf %parallel_loop3A_355, %parallel_loop3A_357 : vector<16xf32>
        %parallel_loop3A_359 = arith.constant 3 : i32
        %parallel_loop3A_360 = arith.index_cast %parallel_loop3A_359 : i32 to index
        %parallel_loop3A_361 = arith.index_cast %parallel_loop3A_349 : i32 to index
        %parallel_loop3A_362 = arith.constant 0 : index
        %parallel_loop3A_363 = tpu.vector_load %arg6[%parallel_loop3A_360, %parallel_loop3A_361, %parallel_loop3A_362] {strides = array<i32>} : memref<5x128x128xf32, #tpu.memory_space<vmem>>, vector<1x1x16xf32>,
        %parallel_loop3A_364 = vector.shape_cast %parallel_loop3A_363 : vector<1x1x16xf32> to vector<16xf32>
        %parallel_loop3A_365 = vector.shape_cast %parallel_loop3A_358 : vector<16xf32> to vector<1x1x16xf32>
        tpu.vector_store %arg6[%parallel_loop3A_360, %parallel_loop3A_361, %parallel_loop3A_362], %parallel_loop3A_365 {strides = array<i32>} : memref<5x128x128xf32, #tpu.memory_space<vmem>>, vector<1x1x16xf32>,
        %parallel_loop3A_366 = arith.constant 3 : i32
        %parallel_loop3A_367 = arith.index_cast %parallel_loop3A_366 : i32 to index
        %parallel_loop3A_368 = arith.index_cast %parallel_loop3A_349 : i32 to index
        %parallel_loop3A_369 = arith.constant 16 : index
        %parallel_loop3A_370 = tpu.vector_load %arg6[%parallel_loop3A_367, %parallel_loop3A_368, %parallel_loop3A_369] {strides = array<i32>} : memref<5x128x128xf32, #tpu.memory_space<vmem>>, vector<1x1x16xf32>,
        %parallel_loop3A_371 = vector.shape_cast %parallel_loop3A_370 : vector<1x1x16xf32> to vector<16xf32>
        %parallel_loop3A_372 = arith.constant 11.3137083 : f32
        %parallel_loop3A_373 = vector.broadcast %parallel_loop3A_372 : f32 to vector<16xf32>
        %parallel_loop3A_374 = arith.mulf %parallel_loop3A_371, %parallel_loop3A_373 : vector<16xf32>
        %parallel_loop3A_375 = arith.constant 3 : i32
        %parallel_loop3A_376 = arith.index_cast %parallel_loop3A_375 : i32 to index
        %parallel_loop3A_377 = arith.index_cast %parallel_loop3A_349 : i32 to index
        %parallel_loop3A_378 = arith.constant 16 : index
        %parallel_loop3A_379 = tpu.vector_load %arg6[%parallel_loop3A_376, %parallel_loop3A_377, %parallel_loop3A_378] {strides = array<i32>} : memref<5x128x128xf32, #tpu.memory_space<vmem>>, vector<1x1x16xf32>,
        %parallel_loop3A_380 = vector.shape_cast %parallel_loop3A_379 : vector<1x1x16xf32> to vector<16xf32>
        %parallel_loop3A_381 = vector.shape_cast %parallel_loop3A_374 : vector<16xf32> to vector<1x1x16xf32>
        tpu.vector_store %arg6[%parallel_loop3A_376, %parallel_loop3A_377, %parallel_loop3A_378], %parallel_loop3A_381 {strides = array<i32>} : memref<5x128x128xf32, #tpu.memory_space<vmem>>, vector<1x1x16xf32>,
        %parallel_loop3A_382 = arith.constant 3 : i32
        %parallel_loop3A_383 = arith.index_cast %parallel_loop3A_382 : i32 to index
        %parallel_loop3A_384 = arith.index_cast %parallel_loop3A_349 : i32 to index
        %parallel_loop3A_385 = arith.constant 32 : index
        %parallel_loop3A_386 = tpu.vector_load %arg6[%parallel_loop3A_383, %parallel_loop3A_384, %parallel_loop3A_385] {strides = array<i32>} : memref<5x128x128xf32, #tpu.memory_space<vmem>>, vector<1x1x16xf32>,
        %parallel_loop3A_387 = vector.shape_cast %parallel_loop3A_386 : vector<1x1x16xf32> to vector<16xf32>
        %parallel_loop3A_388 = arith.constant 11.3137083 : f32
        %parallel_loop3A_389 = vector.broadcast %parallel_loop3A_388 : f32 to vector<16xf32>
        %parallel_loop3A_390 = arith.mulf %parallel_loop3A_387, %parallel_loop3A_389 : vector<16xf32>
        %parallel_loop3A_391 = arith.constant 3 : i32
        %parallel_loop3A_392 = arith.index_cast %parallel_loop3A_391 : i32 to index
        %parallel_loop3A_393 = arith.index_cast %parallel_loop3A_349 : i32 to index
        %parallel_loop3A_394 = arith.constant 32 : index
        %parallel_loop3A_395 = tpu.vector_load %arg6[%parallel_loop3A_392, %parallel_loop3A_393, %parallel_loop3A_394] {strides = array<i32>} : memref<5x128x128xf32, #tpu.memory_space<vmem>>, vector<1x1x16xf32>,
        %parallel_loop3A_396 = vector.shape_cast %parallel_loop3A_395 : vector<1x1x16xf32> to vector<16xf32>
        %parallel_loop3A_397 = vector.shape_cast %parallel_loop3A_390 : vector<16xf32> to vector<1x1x16xf32>
        tpu.vector_store %arg6[%parallel_loop3A_392, %parallel_loop3A_393, %parallel_loop3A_394], %parallel_loop3A_397 {strides = array<i32>} : memref<5x128x128xf32, #tpu.memory_space<vmem>>, vector<1x1x16xf32>,
        %parallel_loop3A_398 = arith.constant 3 : i32
        %parallel_loop3A_399 = arith.index_cast %parallel_loop3A_398 : i32 to index
        %parallel_loop3A_400 = arith.index_cast %parallel_loop3A_349 : i32 to index
        %parallel_loop3A_401 = arith.constant 48 : index
        %parallel_loop3A_402 = tpu.vector_load %arg6[%parallel_loop3A_399, %parallel_loop3A_400, %parallel_loop3A_401] {strides = array<i32>} : memref<5x128x128xf32, #tpu.memory_space<vmem>>, vector<1x1x16xf32>,
        %parallel_loop3A_403 = vector.shape_cast %parallel_loop3A_402 : vector<1x1x16xf32> to vector<16xf32>
        %parallel_loop3A_404 = arith.constant 11.3137083 : f32
        %parallel_loop3A_405 = vector.broadcast %parallel_loop3A_404 : f32 to vector<16xf32>
        %parallel_loop3A_406 = arith.mulf %parallel_loop3A_403, %parallel_loop3A_405 : vector<16xf32>
        %parallel_loop3A_407 = arith.constant 3 : i32
        %parallel_loop3A_408 = arith.index_cast %parallel_loop3A_407 : i32 to index
        %parallel_loop3A_409 = arith.index_cast %parallel_loop3A_349 : i32 to index
        %parallel_loop3A_410 = arith.constant 48 : index
        %parallel_loop3A_411 = tpu.vector_load %arg6[%parallel_loop3A_408, %parallel_loop3A_409, %parallel_loop3A_410] {strides = array<i32>} : memref<5x128x128xf32, #tpu.memory_space<vmem>>, vector<1x1x16xf32>,
        %parallel_loop3A_412 = vector.shape_cast %parallel_loop3A_411 : vector<1x1x16xf32> to vector<16xf32>
        %parallel_loop3A_413 = vector.shape_cast %parallel_loop3A_406 : vector<16xf32> to vector<1x1x16xf32>
        tpu.vector_store %arg6[%parallel_loop3A_408, %parallel_loop3A_409, %parallel_loop3A_410], %parallel_loop3A_413 {strides = array<i32>} : memref<5x128x128xf32, #tpu.memory_space<vmem>>, vector<1x1x16xf32>,
        %parallel_loop3A_414 = arith.constant 3 : i32
        %parallel_loop3A_415 = arith.index_cast %parallel_loop3A_414 : i32 to index
        %parallel_loop3A_416 = arith.index_cast %parallel_loop3A_349 : i32 to index
        %parallel_loop3A_417 = arith.constant 64 : index
        %parallel_loop3A_418 = tpu.vector_load %arg6[%parallel_loop3A_415, %parallel_loop3A_416, %parallel_loop3A_417] {strides = array<i32>} : memref<5x128x128xf32, #tpu.memory_space<vmem>>, vector<1x1x16xf32>,
        %parallel_loop3A_419 = vector.shape_cast %parallel_loop3A_418 : vector<1x1x16xf32> to vector<16xf32>
        %parallel_loop3A_420 = arith.constant 11.3137083 : f32
        %parallel_loop3A_421 = vector.broadcast %parallel_loop3A_420 : f32 to vector<16xf32>
        %parallel_loop3A_422 = arith.mulf %parallel_loop3A_419, %parallel_loop3A_421 : vector<16xf32>
        %parallel_loop3A_423 = arith.constant 3 : i32
        %parallel_loop3A_424 = arith.index_cast %parallel_loop3A_423 : i32 to index
        %parallel_loop3A_425 = arith.index_cast %parallel_loop3A_349 : i32 to index
        %parallel_loop3A_426 = arith.constant 64 : index
        %parallel_loop3A_427 = tpu.vector_load %arg6[%parallel_loop3A_424, %parallel_loop3A_425, %parallel_loop3A_426] {strides = array<i32>} : memref<5x128x128xf32, #tpu.memory_space<vmem>>, vector<1x1x16xf32>,
        %parallel_loop3A_428 = vector.shape_cast %parallel_loop3A_427 : vector<1x1x16xf32> to vector<16xf32>
        %parallel_loop3A_429 = vector.shape_cast %parallel_loop3A_422 : vector<16xf32> to vector<1x1x16xf32>
        tpu.vector_store %arg6[%parallel_loop3A_424, %parallel_loop3A_425, %parallel_loop3A_426], %parallel_loop3A_429 {strides = array<i32>} : memref<5x128x128xf32, #tpu.memory_space<vmem>>, vector<1x1x16xf32>,
        %parallel_loop3A_430 = arith.constant 3 : i32
        %parallel_loop3A_431 = arith.index_cast %parallel_loop3A_430 : i32 to index
        %parallel_loop3A_432 = arith.index_cast %parallel_loop3A_349 : i32 to index
        %parallel_loop3A_433 = arith.constant 80 : index
        %parallel_loop3A_434 = tpu.vector_load %arg6[%parallel_loop3A_431, %parallel_loop3A_432, %parallel_loop3A_433] {strides = array<i32>} : memref<5x128x128xf32, #tpu.memory_space<vmem>>, vector<1x1x16xf32>,
        %parallel_loop3A_435 = vector.shape_cast %parallel_loop3A_434 : vector<1x1x16xf32> to vector<16xf32>
        %parallel_loop3A_436 = arith.constant 11.3137083 : f32
        %parallel_loop3A_437 = vector.broadcast %parallel_loop3A_436 : f32 to vector<16xf32>
        %parallel_loop3A_438 = arith.mulf %parallel_loop3A_435, %parallel_loop3A_437 : vector<16xf32>
        %parallel_loop3A_439 = arith.constant 3 : i32
        %parallel_loop3A_440 = arith.index_cast %parallel_loop3A_439 : i32 to index
        %parallel_loop3A_441 = arith.index_cast %parallel_loop3A_349 : i32 to index
        %parallel_loop3A_442 = arith.constant 80 : index
        %parallel_loop3A_443 = tpu.vector_load %arg6[%parallel_loop3A_440, %parallel_loop3A_441, %parallel_loop3A_442] {strides = array<i32>} : memref<5x128x128xf32, #tpu.memory_space<vmem>>, vector<1x1x16xf32>,
        %parallel_loop3A_444 = vector.shape_cast %parallel_loop3A_443 : vector<1x1x16xf32> to vector<16xf32>
        %parallel_loop3A_445 = vector.shape_cast %parallel_loop3A_438 : vector<16xf32> to vector<1x1x16xf32>
        tpu.vector_store %arg6[%parallel_loop3A_440, %parallel_loop3A_441, %parallel_loop3A_442], %parallel_loop3A_445 {strides = array<i32>} : memref<5x128x128xf32, #tpu.memory_space<vmem>>, vector<1x1x16xf32>,
        %parallel_loop3A_446 = arith.constant 3 : i32
        %parallel_loop3A_447 = arith.index_cast %parallel_loop3A_446 : i32 to index
        %parallel_loop3A_448 = arith.index_cast %parallel_loop3A_349 : i32 to index
        %parallel_loop3A_449 = arith.constant 96 : index
        %parallel_loop3A_450 = tpu.vector_load %arg6[%parallel_loop3A_447, %parallel_loop3A_448, %parallel_loop3A_449] {strides = array<i32>} : memref<5x128x128xf32, #tpu.memory_space<vmem>>, vector<1x1x16xf32>,
        %parallel_loop3A_451 = vector.shape_cast %parallel_loop3A_450 : vector<1x1x16xf32> to vector<16xf32>
        %parallel_loop3A_452 = arith.constant 11.3137083 : f32
        %parallel_loop3A_453 = vector.broadcast %parallel_loop3A_452 : f32 to vector<16xf32>
        %parallel_loop3A_454 = arith.mulf %parallel_loop3A_451, %parallel_loop3A_453 : vector<16xf32>
        %parallel_loop3A_455 = arith.constant 3 : i32
        %parallel_loop3A_456 = arith.index_cast %parallel_loop3A_455 : i32 to index
        %parallel_loop3A_457 = arith.index_cast %parallel_loop3A_349 : i32 to index
        %parallel_loop3A_458 = arith.constant 96 : index
        %parallel_loop3A_459 = tpu.vector_load %arg6[%parallel_loop3A_456, %parallel_loop3A_457, %parallel_loop3A_458] {strides = array<i32>} : memref<5x128x128xf32, #tpu.memory_space<vmem>>, vector<1x1x16xf32>,
        %parallel_loop3A_460 = vector.shape_cast %parallel_loop3A_459 : vector<1x1x16xf32> to vector<16xf32>
        %parallel_loop3A_461 = vector.shape_cast %parallel_loop3A_454 : vector<16xf32> to vector<1x1x16xf32>
        tpu.vector_store %arg6[%parallel_loop3A_456, %parallel_loop3A_457, %parallel_loop3A_458], %parallel_loop3A_461 {strides = array<i32>} : memref<5x128x128xf32, #tpu.memory_space<vmem>>, vector<1x1x16xf32>,
        %parallel_loop3A_462 = arith.constant 3 : i32
        %parallel_loop3A_463 = arith.index_cast %parallel_loop3A_462 : i32 to index
        %parallel_loop3A_464 = arith.index_cast %parallel_loop3A_349 : i32 to index
        %parallel_loop3A_465 = arith.constant 112 : index
        %parallel_loop3A_466 = tpu.vector_load %arg6[%parallel_loop3A_463, %parallel_loop3A_464, %parallel_loop3A_465] {strides = array<i32>} : memref<5x128x128xf32, #tpu.memory_space<vmem>>, vector<1x1x16xf32>,
        %parallel_loop3A_467 = vector.shape_cast %parallel_loop3A_466 : vector<1x1x16xf32> to vector<16xf32>
        %parallel_loop3A_468 = arith.constant 11.3137083 : f32
        %parallel_loop3A_469 = vector.broadcast %parallel_loop3A_468 : f32 to vector<16xf32>
        %parallel_loop3A_470 = arith.mulf %parallel_loop3A_467, %parallel_loop3A_469 : vector<16xf32>
        %parallel_loop3A_471 = arith.constant 3 : i32
        %parallel_loop3A_472 = arith.index_cast %parallel_loop3A_471 : i32 to index
        %parallel_loop3A_473 = arith.index_cast %parallel_loop3A_349 : i32 to index
        %parallel_loop3A_474 = arith.constant 112 : index
        %parallel_loop3A_475 = tpu.vector_load %arg6[%parallel_loop3A_472, %parallel_loop3A_473, %parallel_loop3A_474] {strides = array<i32>} : memref<5x128x128xf32, #tpu.memory_space<vmem>>, vector<1x1x16xf32>,
        %parallel_loop3A_476 = vector.shape_cast %parallel_loop3A_475 : vector<1x1x16xf32> to vector<16xf32>
        %parallel_loop3A_477 = vector.shape_cast %parallel_loop3A_470 : vector<16xf32> to vector<1x1x16xf32>
        tpu.vector_store %arg6[%parallel_loop3A_472, %parallel_loop3A_473, %parallel_loop3A_474], %parallel_loop3A_477 {strides = array<i32>} : memref<5x128x128xf32, #tpu.memory_space<vmem>>, vector<1x1x16xf32>,
      } {sc.loop_unroll_factor = 4 : i64, sc.parallel_access}
      %mul3A_247 = arith.constant 128 : i32
      %mul3A_248 = arith.muli %add3A_232, %mul3A_247 : i32
      %add3A_249 = arith.addi %mul3A_2, %mul3A_248 : i32
      %dma_start3A_250 = arith.constant 3 : i32
      %dma_start3A_251 = arith.constant 0 : i32
      %dma_start3A_252 = arith.constant 0 : i32
      %dma_start3A_253 = tpu.memref_slice %arg6[%dma_start3A_250, %dma_start3A_251, %dma_start3A_252] : memref<5x128x128xf32, #tpu.memory_space<vmem>> -> memref<1x128x128xf32, #tpu.memory_space<vmem>>
      %dma_start3A_254 = tpu.memref_squeeze %dma_start3A_253 : memref<1x128x128xf32, #tpu.memory_space<vmem>> -> memref<128x128xf32, #tpu.memory_space<vmem>>
      %dma_start3A_255 = arith.constant 0 : i32
      %dma_start3A_256 = tpu.memref_slice %arg4[%add3A_249, %dma_start3A_255] : memref<819200x128xf32, #tpu.memory_space<hbm>> -> memref<128x128xf32, #tpu.memory_space<hbm>>
      %dma_start3A_257 = arith.constant 0 : i32
      %dma_start3A_258 = tpu.memref_slice %arg4[%add3A_249, %dma_start3A_257] : memref<819200x128xf32, #tpu.memory_space<hbm>> -> memref<128x128xf32, #tpu.memory_space<hbm>>
      %dma_start3A_259 = arith.constant 0 : i32
      %dma_start3A_260 = arith.constant 0 : i32
      %dma_start3A_261 = tpu.memref_slice %arg6[%dma_start3A_250, %dma_start3A_259, %dma_start3A_260] : memref<5x128x128xf32, #tpu.memory_space<vmem>> -> memref<1x128x128xf32, #tpu.memory_space<vmem>>
      %dma_start3A_262 = tpu.memref_squeeze %dma_start3A_261 : memref<1x128x128xf32, #tpu.memory_space<vmem>> -> memref<128x128xf32, #tpu.memory_space<vmem>>
      tpu.enqueue_dma source(%dma_start3A_262 : memref<128x128xf32, #tpu.memory_space<vmem>>) target(%dma_start3A_258 : memref<128x128xf32, #tpu.memory_space<hbm>>) target_semaphore(%arg8 : memref<!tpu.dma_semaphore, #tpu.memory_space<semaphore_mem>>)
      %sub3A_263 = arith.constant 1 : i32
      %sub3A_264 = arith.subi %add3A_232, %sub3A_263 : i32
      %mul3A_265 = arith.constant 128 : i32
      %mul3A_266 = arith.muli %sub3A_264, %mul3A_265 : i32
      %add3A_267 = arith.addi %mul3A_2, %mul3A_266 : i32
      %dma_wait3A_268 = arith.constant 2 : i32
      %dma_wait3A_269 = arith.constant 0 : i32
      %dma_wait3A_270 = arith.constant 0 : i32
      %dma_wait3A_271 = tpu.memref_slice %arg6[%dma_wait3A_268, %dma_wait3A_269, %dma_wait3A_270] : memref<5x128x128xf32, #tpu.memory_space<vmem>> -> memref<1x128x128xf32, #tpu.memory_space<vmem>>
      %dma_wait3A_272 = tpu.memref_squeeze %dma_wait3A_271 : memref<1x128x128xf32, #tpu.memory_space<vmem>> -> memref<128x128xf32, #tpu.memory_space<vmem>>
      %dma_wait3A_273 = arith.constant 0 : i32
      %dma_wait3A_274 = tpu.memref_slice %arg4[%add3A_267, %dma_wait3A_273] : memref<819200x128xf32, #tpu.memory_space<hbm>> -> memref<128x128xf32, #tpu.memory_space<hbm>>
      %dma_wait3A_275 = arith.constant 0 : i32
      %dma_wait3A_276 = tpu.memref_slice %arg4[%add3A_267, %dma_wait3A_275] : memref<819200x128xf32, #tpu.memory_space<hbm>> -> memref<128x128xf32, #tpu.memory_space<hbm>>
      %dma_wait3A_277 = arith.constant 0 : i32
      %dma_wait3A_278 = arith.constant 0 : i32
      %dma_wait3A_279 = tpu.memref_slice %arg6[%dma_wait3A_268, %dma_wait3A_277, %dma_wait3A_278] : memref<5x128x128xf32, #tpu.memory_space<vmem>> -> memref<1x128x128xf32, #tpu.memory_space<vmem>>
      %dma_wait3A_280 = tpu.memref_squeeze %dma_wait3A_279 : memref<1x128x128xf32, #tpu.memory_space<vmem>> -> memref<128x128xf32, #tpu.memory_space<vmem>>
      tpu.wait_dma2 semaphore(%arg8 : memref<!tpu.dma_semaphore, #tpu.memory_space<semaphore_mem>>) src(%dma_wait3A_280 : memref<128x128xf32, #tpu.memory_space<vmem>>) dst(%dma_wait3A_276 : memref<128x128xf32, #tpu.memory_space<hbm>>)
      %add3A_281 = arith.constant 5 : i32
      %add3A_282 = arith.addi %add3A_232, %add3A_281 : i32
      %sub3A_283 = arith.constant 1 : i32
      %sub3A_284 = arith.subi %add3A_282, %sub3A_283 : i32
      %lt3A_285 = arith.constant 200 : i32
      %lt3A_286 = arith.cmpi slt, %sub3A_284, %lt3A_285 : i32
      %convert_element_type3A_287 = arith.extui %lt3A_286 : i1 to i32
      %cond3A_288 = arith.constant 0 : i32
      %cond3A_289 = arith.cmpi ne, %convert_element_type3A_287, %cond3A_288 : i32
      scf.if %cond3A_289 {
        %add3A_349 = arith.constant 5 : i32
        %add3A_350 = arith.addi %add3A_232, %add3A_349 : i32
        %sub3A_351 = arith.constant 1 : i32
        %sub3A_352 = arith.subi %add3A_350, %sub3A_351 : i32
        %dma_start3A_353 = arith.constant 2 : i32
        %dma_start3A_354 = arith.constant 0 : i32
        %dma_start3A_355 = arith.constant 0 : i32
        %dma_start3A_356 = tpu.memref_slice %arg6[%dma_start3A_353, %dma_start3A_354, %dma_start3A_355] : memref<5x128x128xf32, #tpu.memory_space<vmem>> -> memref<1x128x128xf32, #tpu.memory_space<vmem>>
        %dma_start3A_357 = tpu.memref_squeeze %dma_start3A_356 : memref<1x128x128xf32, #tpu.memory_space<vmem>> -> memref<128x128xf32, #tpu.memory_space<vmem>>
        %dma_start3A_358 = arith.constant 0 : i32
        %dma_start3A_359 = tpu.memref_slice %arg5[%sub3A_352, %dma_start3A_358] : memref<200x128xi32, #tpu.memory_space<vmem>> -> memref<1x128xi32, #tpu.memory_space<vmem>>
        %dma_start3A_360 = tpu.memref_squeeze %dma_start3A_359 : memref<1x128xi32, #tpu.memory_space<vmem>> -> memref<128xi32, #tpu.memory_space<vmem>>
        %dma_start3A_361 = arith.constant 0 : i32
        %dma_start3A_362 = arith.constant 0 : i32
        %dma_start3A_363 = tpu.memref_slice %arg3[%dma_start3A_361, %dma_start3A_362] : memref<100000x128xf32, #tpu.memory_space<hbm>> -> memref<100000x128xf32, #tpu.memory_space<hbm>>
        tpu.enqueue_indirect_dma source(%dma_start3A_363 : memref<100000x128xf32, #tpu.memory_space<hbm>>) target(%dma_start3A_357 : memref<128x128xf32, #tpu.memory_space<vmem>>) offsets(%dma_start3A_360 : memref<128xi32, #tpu.memory_space<vmem>>) semaphore(%arg7 : memref<!tpu.dma_semaphore, #tpu.memory_space<semaphore_mem>>)
      } else {
      }
      %add3A_290 = arith.constant 4 : i32
      %add3A_291 = arith.addi %add3A_72, %add3A_290 : i32
      %dma_wait3A_292 = arith.constant 4 : i32
      %dma_wait3A_293 = arith.constant 0 : i32
      %dma_wait3A_294 = arith.constant 0 : i32
      %dma_wait3A_295 = tpu.memref_slice %arg6[%dma_wait3A_292, %dma_wait3A_293, %dma_wait3A_294] : memref<5x128x128xf32, #tpu.memory_space<vmem>> -> memref<1x128x128xf32, #tpu.memory_space<vmem>>
      %dma_wait3A_296 = tpu.memref_squeeze %dma_wait3A_295 : memref<1x128x128xf32, #tpu.memory_space<vmem>> -> memref<128x128xf32, #tpu.memory_space<vmem>>
      %dma_wait3A_297 = arith.constant 0 : i32
      %dma_wait3A_298 = tpu.memref_slice %arg5[%add3A_291, %dma_wait3A_297] : memref<200x128xi32, #tpu.memory_space<vmem>> -> memref<1x128xi32, #tpu.memory_space<vmem>>
      %dma_wait3A_299 = tpu.memref_squeeze %dma_wait3A_298 : memref<1x128xi32, #tpu.memory_space<vmem>> -> memref<128xi32, #tpu.memory_space<vmem>>
      %dma_wait3A_300 = arith.constant 0 : i32
      %dma_wait3A_301 = arith.constant 0 : i32
      %dma_wait3A_302 = tpu.memref_slice %arg3[%dma_wait3A_300, %dma_wait3A_301] : memref<100000x128xf32, #tpu.memory_space<hbm>> -> memref<100000x128xf32, #tpu.memory_space<hbm>>
      tpu.wait_indirect_dma semaphore(%arg7 : memref<!tpu.dma_semaphore, #tpu.memory_space<semaphore_mem>>) src(%dma_wait3A_302 : memref<100000x128xf32, #tpu.memory_space<hbm>>) dst(%dma_wait3A_296 : memref<128x128xf32, #tpu.memory_space<vmem>>)
      %parallel_loop3A_303 = arith.constant 0 : i32
      %parallel_loop3A_304 = arith.constant 128 : i32
      %parallel_loop3A_305 = arith.constant 1 : i32
      scf.for %parallel_loop3A_349 = %parallel_loop3A_303 to %parallel_loop3A_304 step %parallel_loop3A_305  : i32 {
        %parallel_loop3A_350 = arith.constant 4 : i32
        %parallel_loop3A_351 = arith.index_cast %parallel_loop3A_350 : i32 to index
        %parallel_loop3A_352 = arith.index_cast %parallel_loop3A_349 : i32 to index
        %parallel_loop3A_353 = arith.constant 0 : index
        %parallel_loop3A_354 = tpu.vector_load %arg6[%parallel_loop3A_351, %parallel_loop3A_352, %parallel_loop3A_353] {strides = array<i32>} : memref<5x128x128xf32, #tpu.memory_space<vmem>>, vector<1x1x16xf32>,
        %parallel_loop3A_355 = vector.shape_cast %parallel_loop3A_354 : vector<1x1x16xf32> to vector<16xf32>
        %parallel_loop3A_356 = arith.constant 11.3137083 : f32
        %parallel_loop3A_357 = vector.broadcast %parallel_loop3A_356 : f32 to vector<16xf32>
        %parallel_loop3A_358 = arith.mulf %parallel_loop3A_355, %parallel_loop3A_357 : vector<16xf32>
        %parallel_loop3A_359 = arith.constant 4 : i32
        %parallel_loop3A_360 = arith.index_cast %parallel_loop3A_359 : i32 to index
        %parallel_loop3A_361 = arith.index_cast %parallel_loop3A_349 : i32 to index
        %parallel_loop3A_362 = arith.constant 0 : index
        %parallel_loop3A_363 = tpu.vector_load %arg6[%parallel_loop3A_360, %parallel_loop3A_361, %parallel_loop3A_362] {strides = array<i32>} : memref<5x128x128xf32, #tpu.memory_space<vmem>>, vector<1x1x16xf32>,
        %parallel_loop3A_364 = vector.shape_cast %parallel_loop3A_363 : vector<1x1x16xf32> to vector<16xf32>
        %parallel_loop3A_365 = vector.shape_cast %parallel_loop3A_358 : vector<16xf32> to vector<1x1x16xf32>
        tpu.vector_store %arg6[%parallel_loop3A_360, %parallel_loop3A_361, %parallel_loop3A_362], %parallel_loop3A_365 {strides = array<i32>} : memref<5x128x128xf32, #tpu.memory_space<vmem>>, vector<1x1x16xf32>,
        %parallel_loop3A_366 = arith.constant 4 : i32
        %parallel_loop3A_367 = arith.index_cast %parallel_loop3A_366 : i32 to index
        %parallel_loop3A_368 = arith.index_cast %parallel_loop3A_349 : i32 to index
        %parallel_loop3A_369 = arith.constant 16 : index
        %parallel_loop3A_370 = tpu.vector_load %arg6[%parallel_loop3A_367, %parallel_loop3A_368, %parallel_loop3A_369] {strides = array<i32>} : memref<5x128x128xf32, #tpu.memory_space<vmem>>, vector<1x1x16xf32>,
        %parallel_loop3A_371 = vector.shape_cast %parallel_loop3A_370 : vector<1x1x16xf32> to vector<16xf32>
        %parallel_loop3A_372 = arith.constant 11.3137083 : f32
        %parallel_loop3A_373 = vector.broadcast %parallel_loop3A_372 : f32 to vector<16xf32>
        %parallel_loop3A_374 = arith.mulf %parallel_loop3A_371, %parallel_loop3A_373 : vector<16xf32>
        %parallel_loop3A_375 = arith.constant 4 : i32
        %parallel_loop3A_376 = arith.index_cast %parallel_loop3A_375 : i32 to index
        %parallel_loop3A_377 = arith.index_cast %parallel_loop3A_349 : i32 to index
        %parallel_loop3A_378 = arith.constant 16 : index
        %parallel_loop3A_379 = tpu.vector_load %arg6[%parallel_loop3A_376, %parallel_loop3A_377, %parallel_loop3A_378] {strides = array<i32>} : memref<5x128x128xf32, #tpu.memory_space<vmem>>, vector<1x1x16xf32>,
        %parallel_loop3A_380 = vector.shape_cast %parallel_loop3A_379 : vector<1x1x16xf32> to vector<16xf32>
        %parallel_loop3A_381 = vector.shape_cast %parallel_loop3A_374 : vector<16xf32> to vector<1x1x16xf32>
        tpu.vector_store %arg6[%parallel_loop3A_376, %parallel_loop3A_377, %parallel_loop3A_378], %parallel_loop3A_381 {strides = array<i32>} : memref<5x128x128xf32, #tpu.memory_space<vmem>>, vector<1x1x16xf32>,
        %parallel_loop3A_382 = arith.constant 4 : i32
        %parallel_loop3A_383 = arith.index_cast %parallel_loop3A_382 : i32 to index
        %parallel_loop3A_384 = arith.index_cast %parallel_loop3A_349 : i32 to index
        %parallel_loop3A_385 = arith.constant 32 : index
        %parallel_loop3A_386 = tpu.vector_load %arg6[%parallel_loop3A_383, %parallel_loop3A_384, %parallel_loop3A_385] {strides = array<i32>} : memref<5x128x128xf32, #tpu.memory_space<vmem>>, vector<1x1x16xf32>,
        %parallel_loop3A_387 = vector.shape_cast %parallel_loop3A_386 : vector<1x1x16xf32> to vector<16xf32>
        %parallel_loop3A_388 = arith.constant 11.3137083 : f32
        %parallel_loop3A_389 = vector.broadcast %parallel_loop3A_388 : f32 to vector<16xf32>
        %parallel_loop3A_390 = arith.mulf %parallel_loop3A_387, %parallel_loop3A_389 : vector<16xf32>
        %parallel_loop3A_391 = arith.constant 4 : i32
        %parallel_loop3A_392 = arith.index_cast %parallel_loop3A_391 : i32 to index
        %parallel_loop3A_393 = arith.index_cast %parallel_loop3A_349 : i32 to index
        %parallel_loop3A_394 = arith.constant 32 : index
        %parallel_loop3A_395 = tpu.vector_load %arg6[%parallel_loop3A_392, %parallel_loop3A_393, %parallel_loop3A_394] {strides = array<i32>} : memref<5x128x128xf32, #tpu.memory_space<vmem>>, vector<1x1x16xf32>,
        %parallel_loop3A_396 = vector.shape_cast %parallel_loop3A_395 : vector<1x1x16xf32> to vector<16xf32>
        %parallel_loop3A_397 = vector.shape_cast %parallel_loop3A_390 : vector<16xf32> to vector<1x1x16xf32>
        tpu.vector_store %arg6[%parallel_loop3A_392, %parallel_loop3A_393, %parallel_loop3A_394], %parallel_loop3A_397 {strides = array<i32>} : memref<5x128x128xf32, #tpu.memory_space<vmem>>, vector<1x1x16xf32>,
        %parallel_loop3A_398 = arith.constant 4 : i32
        %parallel_loop3A_399 = arith.index_cast %parallel_loop3A_398 : i32 to index
        %parallel_loop3A_400 = arith.index_cast %parallel_loop3A_349 : i32 to index
        %parallel_loop3A_401 = arith.constant 48 : index
        %parallel_loop3A_402 = tpu.vector_load %arg6[%parallel_loop3A_399, %parallel_loop3A_400, %parallel_loop3A_401] {strides = array<i32>} : memref<5x128x128xf32, #tpu.memory_space<vmem>>, vector<1x1x16xf32>,
        %parallel_loop3A_403 = vector.shape_cast %parallel_loop3A_402 : vector<1x1x16xf32> to vector<16xf32>
        %parallel_loop3A_404 = arith.constant 11.3137083 : f32
        %parallel_loop3A_405 = vector.broadcast %parallel_loop3A_404 : f32 to vector<16xf32>
        %parallel_loop3A_406 = arith.mulf %parallel_loop3A_403, %parallel_loop3A_405 : vector<16xf32>
        %parallel_loop3A_407 = arith.constant 4 : i32
        %parallel_loop3A_408 = arith.index_cast %parallel_loop3A_407 : i32 to index
        %parallel_loop3A_409 = arith.index_cast %parallel_loop3A_349 : i32 to index
        %parallel_loop3A_410 = arith.constant 48 : index
        %parallel_loop3A_411 = tpu.vector_load %arg6[%parallel_loop3A_408, %parallel_loop3A_409, %parallel_loop3A_410] {strides = array<i32>} : memref<5x128x128xf32, #tpu.memory_space<vmem>>, vector<1x1x16xf32>,
        %parallel_loop3A_412 = vector.shape_cast %parallel_loop3A_411 : vector<1x1x16xf32> to vector<16xf32>
        %parallel_loop3A_413 = vector.shape_cast %parallel_loop3A_406 : vector<16xf32> to vector<1x1x16xf32>
        tpu.vector_store %arg6[%parallel_loop3A_408, %parallel_loop3A_409, %parallel_loop3A_410], %parallel_loop3A_413 {strides = array<i32>} : memref<5x128x128xf32, #tpu.memory_space<vmem>>, vector<1x1x16xf32>,
        %parallel_loop3A_414 = arith.constant 4 : i32
        %parallel_loop3A_415 = arith.index_cast %parallel_loop3A_414 : i32 to index
        %parallel_loop3A_416 = arith.index_cast %parallel_loop3A_349 : i32 to index
        %parallel_loop3A_417 = arith.constant 64 : index
        %parallel_loop3A_418 = tpu.vector_load %arg6[%parallel_loop3A_415, %parallel_loop3A_416, %parallel_loop3A_417] {strides = array<i32>} : memref<5x128x128xf32, #tpu.memory_space<vmem>>, vector<1x1x16xf32>,
        %parallel_loop3A_419 = vector.shape_cast %parallel_loop3A_418 : vector<1x1x16xf32> to vector<16xf32>
        %parallel_loop3A_420 = arith.constant 11.3137083 : f32
        %parallel_loop3A_421 = vector.broadcast %parallel_loop3A_420 : f32 to vector<16xf32>
        %parallel_loop3A_422 = arith.mulf %parallel_loop3A_419, %parallel_loop3A_421 : vector<16xf32>
        %parallel_loop3A_423 = arith.constant 4 : i32
        %parallel_loop3A_424 = arith.index_cast %parallel_loop3A_423 : i32 to index
        %parallel_loop3A_425 = arith.index_cast %parallel_loop3A_349 : i32 to index
        %parallel_loop3A_426 = arith.constant 64 : index
        %parallel_loop3A_427 = tpu.vector_load %arg6[%parallel_loop3A_424, %parallel_loop3A_425, %parallel_loop3A_426] {strides = array<i32>} : memref<5x128x128xf32, #tpu.memory_space<vmem>>, vector<1x1x16xf32>,
        %parallel_loop3A_428 = vector.shape_cast %parallel_loop3A_427 : vector<1x1x16xf32> to vector<16xf32>
        %parallel_loop3A_429 = vector.shape_cast %parallel_loop3A_422 : vector<16xf32> to vector<1x1x16xf32>
        tpu.vector_store %arg6[%parallel_loop3A_424, %parallel_loop3A_425, %parallel_loop3A_426], %parallel_loop3A_429 {strides = array<i32>} : memref<5x128x128xf32, #tpu.memory_space<vmem>>, vector<1x1x16xf32>,
        %parallel_loop3A_430 = arith.constant 4 : i32
        %parallel_loop3A_431 = arith.index_cast %parallel_loop3A_430 : i32 to index
        %parallel_loop3A_432 = arith.index_cast %parallel_loop3A_349 : i32 to index
        %parallel_loop3A_433 = arith.constant 80 : index
        %parallel_loop3A_434 = tpu.vector_load %arg6[%parallel_loop3A_431, %parallel_loop3A_432, %parallel_loop3A_433] {strides = array<i32>} : memref<5x128x128xf32, #tpu.memory_space<vmem>>, vector<1x1x16xf32>,
        %parallel_loop3A_435 = vector.shape_cast %parallel_loop3A_434 : vector<1x1x16xf32> to vector<16xf32>
        %parallel_loop3A_436 = arith.constant 11.3137083 : f32
        %parallel_loop3A_437 = vector.broadcast %parallel_loop3A_436 : f32 to vector<16xf32>
        %parallel_loop3A_438 = arith.mulf %parallel_loop3A_435, %parallel_loop3A_437 : vector<16xf32>
        %parallel_loop3A_439 = arith.constant 4 : i32
        %parallel_loop3A_440 = arith.index_cast %parallel_loop3A_439 : i32 to index
        %parallel_loop3A_441 = arith.index_cast %parallel_loop3A_349 : i32 to index
        %parallel_loop3A_442 = arith.constant 80 : index
        %parallel_loop3A_443 = tpu.vector_load %arg6[%parallel_loop3A_440, %parallel_loop3A_441, %parallel_loop3A_442] {strides = array<i32>} : memref<5x128x128xf32, #tpu.memory_space<vmem>>, vector<1x1x16xf32>,
        %parallel_loop3A_444 = vector.shape_cast %parallel_loop3A_443 : vector<1x1x16xf32> to vector<16xf32>
        %parallel_loop3A_445 = vector.shape_cast %parallel_loop3A_438 : vector<16xf32> to vector<1x1x16xf32>
        tpu.vector_store %arg6[%parallel_loop3A_440, %parallel_loop3A_441, %parallel_loop3A_442], %parallel_loop3A_445 {strides = array<i32>} : memref<5x128x128xf32, #tpu.memory_space<vmem>>, vector<1x1x16xf32>,
        %parallel_loop3A_446 = arith.constant 4 : i32
        %parallel_loop3A_447 = arith.index_cast %parallel_loop3A_446 : i32 to index
        %parallel_loop3A_448 = arith.index_cast %parallel_loop3A_349 : i32 to index
        %parallel_loop3A_449 = arith.constant 96 : index
        %parallel_loop3A_450 = tpu.vector_load %arg6[%parallel_loop3A_447, %parallel_loop3A_448, %parallel_loop3A_449] {strides = array<i32>} : memref<5x128x128xf32, #tpu.memory_space<vmem>>, vector<1x1x16xf32>,
        %parallel_loop3A_451 = vector.shape_cast %parallel_loop3A_450 : vector<1x1x16xf32> to vector<16xf32>
        %parallel_loop3A_452 = arith.constant 11.3137083 : f32
        %parallel_loop3A_453 = vector.broadcast %parallel_loop3A_452 : f32 to vector<16xf32>
        %parallel_loop3A_454 = arith.mulf %parallel_loop3A_451, %parallel_loop3A_453 : vector<16xf32>
        %parallel_loop3A_455 = arith.constant 4 : i32
        %parallel_loop3A_456 = arith.index_cast %parallel_loop3A_455 : i32 to index
        %parallel_loop3A_457 = arith.index_cast %parallel_loop3A_349 : i32 to index
        %parallel_loop3A_458 = arith.constant 96 : index
        %parallel_loop3A_459 = tpu.vector_load %arg6[%parallel_loop3A_456, %parallel_loop3A_457, %parallel_loop3A_458] {strides = array<i32>} : memref<5x128x128xf32, #tpu.memory_space<vmem>>, vector<1x1x16xf32>,
        %parallel_loop3A_460 = vector.shape_cast %parallel_loop3A_459 : vector<1x1x16xf32> to vector<16xf32>
        %parallel_loop3A_461 = vector.shape_cast %parallel_loop3A_454 : vector<16xf32> to vector<1x1x16xf32>
        tpu.vector_store %arg6[%parallel_loop3A_456, %parallel_loop3A_457, %parallel_loop3A_458], %parallel_loop3A_461 {strides = array<i32>} : memref<5x128x128xf32, #tpu.memory_space<vmem>>, vector<1x1x16xf32>,
        %parallel_loop3A_462 = arith.constant 4 : i32
        %parallel_loop3A_463 = arith.index_cast %parallel_loop3A_462 : i32 to index
        %parallel_loop3A_464 = arith.index_cast %parallel_loop3A_349 : i32 to index
        %parallel_loop3A_465 = arith.constant 112 : index
        %parallel_loop3A_466 = tpu.vector_load %arg6[%parallel_loop3A_463, %parallel_loop3A_464, %parallel_loop3A_465] {strides = array<i32>} : memref<5x128x128xf32, #tpu.memory_space<vmem>>, vector<1x1x16xf32>,
        %parallel_loop3A_467 = vector.shape_cast %parallel_loop3A_466 : vector<1x1x16xf32> to vector<16xf32>
        %parallel_loop3A_468 = arith.constant 11.3137083 : f32
        %parallel_loop3A_469 = vector.broadcast %parallel_loop3A_468 : f32 to vector<16xf32>
        %parallel_loop3A_470 = arith.mulf %parallel_loop3A_467, %parallel_loop3A_469 : vector<16xf32>
        %parallel_loop3A_471 = arith.constant 4 : i32
        %parallel_loop3A_472 = arith.index_cast %parallel_loop3A_471 : i32 to index
        %parallel_loop3A_473 = arith.index_cast %parallel_loop3A_349 : i32 to index
        %parallel_loop3A_474 = arith.constant 112 : index
        %parallel_loop3A_475 = tpu.vector_load %arg6[%parallel_loop3A_472, %parallel_loop3A_473, %parallel_loop3A_474] {strides = array<i32>} : memref<5x128x128xf32, #tpu.memory_space<vmem>>, vector<1x1x16xf32>,
        %parallel_loop3A_476 = vector.shape_cast %parallel_loop3A_475 : vector<1x1x16xf32> to vector<16xf32>
        %parallel_loop3A_477 = vector.shape_cast %parallel_loop3A_470 : vector<16xf32> to vector<1x1x16xf32>
        tpu.vector_store %arg6[%parallel_loop3A_472, %parallel_loop3A_473, %parallel_loop3A_474], %parallel_loop3A_477 {strides = array<i32>} : memref<5x128x128xf32, #tpu.memory_space<vmem>>, vector<1x1x16xf32>,
      } {sc.loop_unroll_factor = 4 : i64, sc.parallel_access}
      %mul3A_306 = arith.constant 128 : i32
      %mul3A_307 = arith.muli %add3A_291, %mul3A_306 : i32
      %add3A_308 = arith.addi %mul3A_2, %mul3A_307 : i32
      %dma_start3A_309 = arith.constant 4 : i32
      %dma_start3A_310 = arith.constant 0 : i32
      %dma_start3A_311 = arith.constant 0 : i32
      %dma_start3A_312 = tpu.memref_slice %arg6[%dma_start3A_309, %dma_start3A_310, %dma_start3A_311] : memref<5x128x128xf32, #tpu.memory_space<vmem>> -> memref<1x128x128xf32, #tpu.memory_space<vmem>>
      %dma_start3A_313 = tpu.memref_squeeze %dma_start3A_312 : memref<1x128x128xf32, #tpu.memory_space<vmem>> -> memref<128x128xf32, #tpu.memory_space<vmem>>
      %dma_start3A_314 = arith.constant 0 : i32
      %dma_start3A_315 = tpu.memref_slice %arg4[%add3A_308, %dma_start3A_314] : memref<819200x128xf32, #tpu.memory_space<hbm>> -> memref<128x128xf32, #tpu.memory_space<hbm>>
      %dma_start3A_316 = arith.constant 0 : i32
      %dma_start3A_317 = tpu.memref_slice %arg4[%add3A_308, %dma_start3A_316] : memref<819200x128xf32, #tpu.memory_space<hbm>> -> memref<128x128xf32, #tpu.memory_space<hbm>>
      %dma_start3A_318 = arith.constant 0 : i32
      %dma_start3A_319 = arith.constant 0 : i32
      %dma_start3A_320 = tpu.memref_slice %arg6[%dma_start3A_309, %dma_start3A_318, %dma_start3A_319] : memref<5x128x128xf32, #tpu.memory_space<vmem>> -> memref<1x128x128xf32, #tpu.memory_space<vmem>>
      %dma_start3A_321 = tpu.memref_squeeze %dma_start3A_320 : memref<1x128x128xf32, #tpu.memory_space<vmem>> -> memref<128x128xf32, #tpu.memory_space<vmem>>
      tpu.enqueue_dma source(%dma_start3A_321 : memref<128x128xf32, #tpu.memory_space<vmem>>) target(%dma_start3A_317 : memref<128x128xf32, #tpu.memory_space<hbm>>) target_semaphore(%arg8 : memref<!tpu.dma_semaphore, #tpu.memory_space<semaphore_mem>>)
      %sub3A_322 = arith.constant 1 : i32
      %sub3A_323 = arith.subi %add3A_291, %sub3A_322 : i32
      %mul3A_324 = arith.constant 128 : i32
      %mul3A_325 = arith.muli %sub3A_323, %mul3A_324 : i32
      %add3A_326 = arith.addi %mul3A_2, %mul3A_325 : i32
      %dma_wait3A_327 = arith.constant 3 : i32
      %dma_wait3A_328 = arith.constant 0 : i32
      %dma_wait3A_329 = arith.constant 0 : i32
      %dma_wait3A_330 = tpu.memref_slice %arg6[%dma_wait3A_327, %dma_wait3A_328, %dma_wait3A_329] : memref<5x128x128xf32, #tpu.memory_space<vmem>> -> memref<1x128x128xf32, #tpu.memory_space<vmem>>
      %dma_wait3A_331 = tpu.memref_squeeze %dma_wait3A_330 : memref<1x128x128xf32, #tpu.memory_space<vmem>> -> memref<128x128xf32, #tpu.memory_space<vmem>>
      %dma_wait3A_332 = arith.constant 0 : i32
      %dma_wait3A_333 = tpu.memref_slice %arg4[%add3A_326, %dma_wait3A_332] : memref<819200x128xf32, #tpu.memory_space<hbm>> -> memref<128x128xf32, #tpu.memory_space<hbm>>
      %dma_wait3A_334 = arith.constant 0 : i32
      %dma_wait3A_335 = tpu.memref_slice %arg4[%add3A_326, %dma_wait3A_334] : memref<819200x128xf32, #tpu.memory_space<hbm>> -> memref<128x128xf32, #tpu.memory_space<hbm>>
      %dma_wait3A_336 = arith.constant 0 : i32
      %dma_wait3A_337 = arith.constant 0 : i32
      %dma_wait3A_338 = tpu.memref_slice %arg6[%dma_wait3A_327, %dma_wait3A_336, %dma_wait3A_337] : memref<5x128x128xf32, #tpu.memory_space<vmem>> -> memref<1x128x128xf32, #tpu.memory_space<vmem>>
      %dma_wait3A_339 = tpu.memref_squeeze %dma_wait3A_338 : memref<1x128x128xf32, #tpu.memory_space<vmem>> -> memref<128x128xf32, #tpu.memory_space<vmem>>
      tpu.wait_dma2 semaphore(%arg8 : memref<!tpu.dma_semaphore, #tpu.memory_space<semaphore_mem>>) src(%dma_wait3A_339 : memref<128x128xf32, #tpu.memory_space<vmem>>) dst(%dma_wait3A_335 : memref<128x128xf32, #tpu.memory_space<hbm>>)
      %add3A_340 = arith.constant 5 : i32
      %add3A_341 = arith.addi %add3A_291, %add3A_340 : i32
      %sub3A_342 = arith.constant 1 : i32
      %sub3A_343 = arith.subi %add3A_341, %sub3A_342 : i32
      %lt3A_344 = arith.constant 200 : i32
      %lt3A_345 = arith.cmpi slt, %sub3A_343, %lt3A_344 : i32
      %convert_element_type3A_346 = arith.extui %lt3A_345 : i1 to i32
      %cond3A_347 = arith.constant 0 : i32
      %cond3A_348 = arith.cmpi ne, %convert_element_type3A_346, %cond3A_347 : i32
      scf.if %cond3A_348 {
        %add3A_349 = arith.constant 5 : i32
        %add3A_350 = arith.addi %add3A_291, %add3A_349 : i32
        %sub3A_351 = arith.constant 1 : i32
        %sub3A_352 = arith.subi %add3A_350, %sub3A_351 : i32
        %dma_start3A_353 = arith.constant 3 : i32
        %dma_start3A_354 = arith.constant 0 : i32
        %dma_start3A_355 = arith.constant 0 : i32
        %dma_start3A_356 = tpu.memref_slice %arg6[%dma_start3A_353, %dma_start3A_354, %dma_start3A_355] : memref<5x128x128xf32, #tpu.memory_space<vmem>> -> memref<1x128x128xf32, #tpu.memory_space<vmem>>
        %dma_start3A_357 = tpu.memref_squeeze %dma_start3A_356 : memref<1x128x128xf32, #tpu.memory_space<vmem>> -> memref<128x128xf32, #tpu.memory_space<vmem>>
        %dma_start3A_358 = arith.constant 0 : i32
        %dma_start3A_359 = tpu.memref_slice %arg5[%sub3A_352, %dma_start3A_358] : memref<200x128xi32, #tpu.memory_space<vmem>> -> memref<1x128xi32, #tpu.memory_space<vmem>>
        %dma_start3A_360 = tpu.memref_squeeze %dma_start3A_359 : memref<1x128xi32, #tpu.memory_space<vmem>> -> memref<128xi32, #tpu.memory_space<vmem>>
        %dma_start3A_361 = arith.constant 0 : i32
        %dma_start3A_362 = arith.constant 0 : i32
        %dma_start3A_363 = tpu.memref_slice %arg3[%dma_start3A_361, %dma_start3A_362] : memref<100000x128xf32, #tpu.memory_space<hbm>> -> memref<100000x128xf32, #tpu.memory_space<hbm>>
        tpu.enqueue_indirect_dma source(%dma_start3A_363 : memref<100000x128xf32, #tpu.memory_space<hbm>>) target(%dma_start3A_357 : memref<128x128xf32, #tpu.memory_space<vmem>>) offsets(%dma_start3A_360 : memref<128xi32, #tpu.memory_space<vmem>>) semaphore(%arg7 : memref<!tpu.dma_semaphore, #tpu.memory_space<semaphore_mem>>)
      } else {
      }
    }
    %scan3A_53 = arith.constant 40 : i32
    %add3A_54 = arith.constant 25472 : i32
    %add3A_55 = arith.addi %mul3A_2, %add3A_54 : i32
    %dma_wait3A = arith.constant 4 : i32
    %dma_wait3A_56 = arith.constant 0 : i32
    %dma_wait3A_57 = arith.constant 0 : i32
    %dma_wait3A_58 = tpu.memref_slice %arg6[%dma_wait3A, %dma_wait3A_56, %dma_wait3A_57] : memref<5x128x128xf32, #tpu.memory_space<vmem>> -> memref<1x128x128xf32, #tpu.memory_space<vmem>>
    %dma_wait3A_59 = tpu.memref_squeeze %dma_wait3A_58 : memref<1x128x128xf32, #tpu.memory_space<vmem>> -> memref<128x128xf32, #tpu.memory_space<vmem>>
    %dma_wait3A_60 = arith.constant 0 : i32
    %dma_wait3A_61 = tpu.memref_slice %arg4[%add3A_55, %dma_wait3A_60] : memref<819200x128xf32, #tpu.memory_space<hbm>> -> memref<128x128xf32, #tpu.memory_space<hbm>>
    %dma_wait3A_62 = arith.constant 0 : i32
    %dma_wait3A_63 = tpu.memref_slice %arg4[%add3A_55, %dma_wait3A_62] : memref<819200x128xf32, #tpu.memory_space<hbm>> -> memref<128x128xf32, #tpu.memory_space<hbm>>
    %dma_wait3A_64 = arith.constant 0 : i32
    %dma_wait3A_65 = arith.constant 0 : i32
    %dma_wait3A_66 = tpu.memref_slice %arg6[%dma_wait3A, %dma_wait3A_64, %dma_wait3A_65] : memref<5x128x128xf32, #tpu.memory_space<vmem>> -> memref<1x128x128xf32, #tpu.memory_space<vmem>>
    %dma_wait3A_67 = tpu.memref_squeeze %dma_wait3A_66 : memref<1x128x128xf32, #tpu.memory_space<vmem>> -> memref<128x128xf32, #tpu.memory_space<vmem>>
    tpu.wait_dma2 semaphore(%arg8 : memref<!tpu.dma_semaphore, #tpu.memory_space<semaphore_mem>>) src(%dma_wait3A_67 : memref<128x128xf32, #tpu.memory_space<vmem>>) dst(%dma_wait3A_63 : memref<128x128xf32, #tpu.memory_space<hbm>>)
    return
  }
}

</mosaic_0001>

<sc_bundles>
// kernel: kernel.3.cloned.1.call-start
scs
__scs_entry_jumppad:
0x0: {  	(pc) =	sbr.rel $0x88, $3  }
0x1: {  	(tag) =	ssettag $0x0;
	lr =	simm.s32 $0x1  }
0x2: {  	[smem:$0x3F9F] =	sst lr;
	_ =	strace $0xD0000000  }
0x3: {  	_ = 	snop  }
0x4: {  	_ = 	snop  }
0x5: {  	_ = 	snop  }
0x6: {  	_ = 	snop  }
0x7: {  	_ = 	snop  }
__scs_overlays_trampoline_lowered:
0x8: {  	[smem:$0x3FAE] =	sst s0  }
0x9: {  	[smem:$0x3FAF] =	sst s1  }
0xa: {  	[smem:$0x3FB0] =	sst s2  }
0xb: {  	[smem:$0x3FB1] =	sst s3  }
0xc: {  	[smem:$0x3FB2] =	sst s4  }
0xd: {  	[smem:$0x3FB3] =	sst s5  }
0xe: {  	[smem:$0x3FB4] =	sst s6  }
0xf: {  	[smem:$0x3FB5] =	sst s7  }
0x10: {  	[smem:$0x3FB6] =	sst s8  }
0x11: {  	[smem:$0x3FB7] =	sst s9;
	s0 =	simm.s32 @!p0 $0x0  }
0x12: {  	s1 =	sld [smem:$0x3F9D];
	s0 =	simm.s32 @p0 $0x1  }
0x13: {  	[smem:$0x3FB8] =	sst s0;
	s0 =	simm.s32 @!p1 $0x0  }
0x14: {  	s2 =	sld [smem:$0x3F9C];
	s0 =	simm.s32 @p1 $0x1  }
0x15: {  	[smem:$0x3FB9] =	sst s0;
	s0 =	simm.s32 @!p2 $0x0  }
0x16: {  	s3 =	sld [smem:$0x3FDB];
	s0 =	simm.s32 @p2 $0x1  }
0x17: {  	s4 =	simm.s32 $0x1BF5;
	[smem:$0x3FBB] =	sst s0  }
0x18: {  	s0 =	sld [smem:$0x3F9E];
	_ =	swait.ge [sflag:s4], $0x0  }
0x19: {  	s7 =	sld [smem:$0x3F9F]  }
0x1a: {  	s8 =	sadd.s32 $0xFFFFE003, lr  }
0x1b: {  	s9 =	sadd.s32 $0xFFFFFEF7, lr;
	s5 =	simm.s32 $0xFFFFFFFF;
	p2 =	slt.u32 s8, $0xFFFFF086  }
0x1c: {  	p1 =	slt.u32 s9, $0xF7A;
	s5 =	simm.s32 @!p2 $0x0  }
0x1d: {  	s5 =	simm.s32 @p1 $0x1;
	p0 =	seq.s32 s7, s2  }
0x1e: {  	s7 =	smul.u32 @!p0 $0xF7A, s2;
	p2 =	seq.s32 @!p0 s5, $0x0  }
0x1f: {  	s9 =	smul.u32 $0xF7A, s1;
	s8 =	simm.s32 @!p0 $0x1BF5;
	p2 =	por !p2, p0  }
0x20: {  	[sflag:s8] =	ssyncset.s32 @!p0 $0xFFFFF086;
	s6 =	sadd.s32 @!p0 s3, s7;
	s7 =	simm.s32 @!p0 $0x108  }
0x21: {  	s3 =	sadd.s32 s3, s9;
	s6 =	sadd.s32 @!p0 $0x88, s6;
	s7 =	simm.s32 @p2 $0x1082  }
0x22: {  	[simem:s7], [sflag:s8] =	dma.local @!p0 [hbm:s6], $0xF7A  }
0x23: {  	s9 =	sor.u32 $0xD0000000, s2;
	s6 =	simm.s32 $0x108;
	_ =	swait.ge @!p0 [sflag:s8], $0x0  }
0x24: {  	s3 =	sadd.s32 $0x88, s3;
	s6 =	simm.s32 @!p1 $0x1082;
	[sflag:s4] =	ssyncset.s32 $0xFFFFF086  }
0x25: {  	[simem:s6], [sflag:s4] =	dma.local [hbm:s3], $0xF7A  }
0x26: {  	[smem:$0x3F9F] =	sst s1;
	(tag) =	ssettag s2;
	_ =	strace s9  }
0x27: {  	s1 =	sld [smem:$0x3FAF]  }
0x28: {  	s2 =	sld [smem:$0x3FB0]  }
0x29: {  	s4 =	sld [smem:$0x3FB2]  }
0x2a: {  	p0 =	seq.s32 s5, $0x0;
	s5 =	sld [smem:$0x3FB3]  }
0x2b: {  	s6 =	sld [smem:$0x3FB4]  }
0x2c: {  	s7 =	sld [smem:$0x3FB5]  }
0x2d: {  	s3 =	simm.s32 $0x108;
	s8 =	sld [smem:$0x3FB6]  }
0x2e: {  	s3 =	simm.s32 @!p0 $0x1082;
	s9 =	sld [smem:$0x3FB7]  }
0x2f: {  	lr =	sadd.s32 s0, s3;
	s0 =	sld [smem:$0x3FAE]  }
0x30: {  	s3 =	sld [smem:$0x3FB1]  }
0x31: {  	[smem:$0x3FBA] =	sst s10  }
0x32: {  	s10 =	sld [smem:$0x3FB8];
	_ =	sdelay $0x3  }
0x33: {  	p0 =	seq.s32 s10, $0x1;
	s10 =	sld [smem:$0x3FBA];
	_ =	sdelay $0x3  }
0x34: {  	[smem:$0x3FBA] =	sst s10  }
0x35: {  	s10 =	sld [smem:$0x3FB9];
	_ =	sdelay $0x3  }
0x36: {  	p1 =	seq.s32 s10, $0x1;
	s10 =	sld [smem:$0x3FBA];
	_ =	sdelay $0x3  }
0x37: {  	[smem:$0x3FBA] =	sst s10  }
0x38: {  	s10 =	sld [smem:$0x3FBB]  }
0x39: {  	_ = 	snop;
	(pc) =	sbr.ind lr, $3  }
0x3a: {  	_ = 	snop  }
0x3b: {  	_ = 	snop  }
0x3c: {  	p2 =	seq.s32 s10, $0x1;
	s10 =	sld [smem:$0x3FBA]  }
0x3d: {  	_ =	shalt  }
0x3e: {  	_ =	shalt  }
0x3f: {  	_ =	shalt  }
0x40: {  	_ =	shalt  }
0x41: {  	_ =	shalt  }
0x42: {  	_ =	shalt  }
0x43: {  	_ =	shalt  }
0x44: {  	_ =	shalt  }
0x45: {  	_ =	shalt  }
0x46: {  	_ =	shalt  }
0x47: {  	_ =	shalt  }
0x48: {  	_ =	shalt  }
0x49: {  	_ =	shalt  }
0x4a: {  	_ =	shalt  }
0x4b: {  	_ =	shalt  }
0x4c: {  	_ =	shalt  }
0x4d: {  	_ =	shalt  }
0x4e: {  	_ =	shalt  }
0x4f: {  	_ =	shalt  }
0x50: {  	_ =	shalt  }
0x51: {  	_ =	shalt  }
0x52: {  	_ =	shalt  }
0x53: {  	_ =	shalt  }
0x54: {  	_ =	shalt  }
0x55: {  	_ =	shalt  }
0x56: {  	_ =	shalt  }
0x57: {  	_ =	shalt  }
0x58: {  	_ =	shalt  }
0x59: {  	_ =	shalt  }
0x5a: {  	_ =	shalt  }
0x5b: {  	_ =	shalt  }
0x5c: {  	_ =	shalt  }
0x5d: {  	_ =	shalt  }
0x5e: {  	_ =	shalt  }
0x5f: {  	_ =	shalt  }
0x60: {  	_ =	shalt  }
0x61: {  	_ =	shalt  }
0x62: {  	_ =	shalt  }
0x63: {  	_ =	shalt  }
0x64: {  	_ =	shalt  }
0x65: {  	_ =	shalt  }
0x66: {  	_ =	shalt  }
0x67: {  	_ =	shalt  }
0x68: {  	_ =	shalt  }
0x69: {  	_ =	shalt  }
0x6a: {  	_ =	shalt  }
0x6b: {  	_ =	shalt  }
0x6c: {  	_ =	shalt  }
0x6d: {  	_ =	shalt  }
0x6e: {  	_ =	shalt  }
0x6f: {  	_ =	shalt  }
0x70: {  	_ =	shalt  }
0x71: {  	_ =	shalt  }
0x72: {  	_ =	shalt  }
0x73: {  	_ =	shalt  }
0x74: {  	_ =	shalt  }
0x75: {  	_ =	shalt  }
0x76: {  	_ =	shalt  }
0x77: {  	_ =	shalt  }
0x78: {  	_ =	shalt  }
0x79: {  	_ =	shalt  }
0x7a: {  	_ =	shalt  }
0x7b: {  	_ =	shalt  }
0x7c: {  	_ =	shalt  }
0x7d: {  	_ =	shalt  }
0x7e: {  	_ =	shalt  }
0x7f: {  	_ =	shalt  }
0x80: {  	_ =	shalt  }
0x81: {  	_ =	shalt  }
0x82: {  	_ =	shalt  }
0x83: {  	_ =	shalt  }
0x84: {  	_ =	shalt  }
0x85: {  	_ =	shalt  }
0x86: {  	_ =	shalt  }
0x87: {  	_ =	shalt  }
.Lfunc_end0:
.L_simem_size_0:
called_computation_lowered:
.L_overlay_start_0:
0x88: {  	s2 =	sld [smem:$0x3FD9]  }
0x89: {  	s3 =	sld [smem:$0x3FFE];
	_ =	sdelay $0x1  }
0x8a: {  	s1 =	srdreg.scid  }
0x8b: {  	s0 =	sand.u32 $0x1, s1  }
0x8c: {  	s17 =	sshll.u32 s0, $0xA;
	s2 =	sadd.s32 s3, s2  }
0x8d: {  	s2 =	sadd.s32 s2, s17  }
0x8e: {  	[smem:$0x3FC6] =	sst s2  }
0x8f: {  	_ = 	snop  }
0x90: {  	s2 =	sld [smem:$0x3FC8]  }
0x91: {  	s18 =	sld [smem:$0x3FD0];
	(tm) =	ssettm $0x1  }
0x92: {  	s4 =	sld [smem:$0x3FFB];
	_ =	sdelay $0x3  }
0x93: {  	_ =	strace s4  }
0x94: {  	s4 =	sld [smem:$0x3FFC];
	_ =	sdelay $0x3  }
0x95: {  	_ =	strace s4  }
0x96: {  	s4 =	sld [smem:$0x3FFD];
	_ =	sdelay $0x3  }
0x97: {  	_ =	strace s4  }
0x98: {  	_ =	strace $0x8FFFFFFF  }
0x99: {  	s19 =	sld [smem:$0x3FDB];
	_ =	sdelay $0x1  }
0x9a: {  	s5 =	simm.s32 $_scs_section_size  }
0x9b: {  	s6 =	simm.s32 $_size__tile_overlayer_lowered;
	s7 =	simm.s32 $_tile_overlayer_lowered  }
0x9c: {  	s22 =	simm.s32 $0x1BFF;
	s21 =	sshll.u32 s7, $0x1;
	s4 =	sadd.s32 s5, s19  }
0x9d: {  	s8 =	simm.s32 $0x0;
	s20 =	sshll.u32 s6, $0x1;
	s6 =	sadd.s32 s21, s4  }
0x9e: {  	[timem:s8], [sflag:s22] =	dma.local [hbm:s6], s20  }
0x9f: {  	_ =	swait.ge [sflag:s22], s20  }
0xa0: {  	s5 =	ssub.s32 $0x0, s20;
	[sflag:s22] =	ssyncset.done $0x0  }
0xa1: {  	[sflag:s22] =	ssyncadd.s32 s5;
	_ =	sdelay $0x1  }
0xa2: {  	s23 =	simm.s32 $0x1B8B  }
0xa3: {  	_ =	swait.ge [sflag:s23], $0x1  }
0xa4: {  	[sflag:s23] =	ssyncset.done $0x0  }
0xa5: {  	s25 =	simm.s32 $0x1B8E;
	s24 =	sld [smem:$0x3FFE];
	[sflag:s23] =	ssyncadd.s32 $0xFFFFFFFF  }
0xa6: {  	s26 =	simm.s32 $execute0_lowered;
	[smem:$0x3FD2] =	sst s25  }
0xa7: {  	s6 =	sshll.u32 s26, $0x1;
	_ =	strace $0x80000046;
	[dreg:$0x1] =	wrdreg $0xFFFFFFFF  }
0xa8: {  	s28 =	simm.s32 $_size_execute0_lowered;
	s4 =	sadd.s32 s4, s6;
	[dreg:$0x0] =	wrdreg $0x0  }
0xa9: {  	s6 =	sshll.u32 s28, $0x1;
	[dreg:$0x2] =	wrdreg s4  }
0xaa: {  	[dreg:$0x3] =	wrdreg s6  }
0xab: {  	[dreg:$0x4] =	wrdreg $0xC0  }
0xac: {  	_ =	task [dreg:s8], $0x5FFFF  }
0xad: {  	[dreg:$0x1] =	wrdreg $0xFFFFFFFF  }
0xae: {  	[dreg:$0x0] =	wrdreg $0x60  }
0xaf: {  	[dreg:$0x2] =	wrdreg s24  }
0xb0: {  	[dreg:$0x3] =	wrdreg s2  }
0xb1: {  	[dreg:$0x4] =	wrdreg s18  }
0xb2: {  	[dreg:$0x5] =	wrdreg $0x9  }
0xb3: {  	_ =	task.clear_ibuf [dreg:s8], $0x6FFFF;
	_ =	strace $0x90000046  }
0xb4: {  	s29 =	simm.s32 $0x9;
	_ =	strace $0x80000048  }
0xb5: {  	_ =	swait.ge [sflag:s29], $0x1  }
0xb6: {  	[sflag:s29] =	ssyncadd.s32 $0xFFFFFFFF  }
0xb7: {  	_ =	strace $0x90000048  }
0xb8: {  	_ =	sfence  }
0xb9: {  	s30 =	sld [smem:$0x0];
	_ =	sdelay $0x2  }
0xba: {  	s31 =	sshll.u32 s1, $0xD;
	s1 =	sshrl.u32 s1, $0x2  }
0xbb: {  	s3 =	sand.u32 $0x4000, s31;
	s1 =	sadd.s32 s1, s30  }
0xbc: {  	s0 =	sor.u32 s3, s0;
	s1 =	sshll.u32 s1, $0x11  }
0xbd: {  	s0 =	sor.u32 s1, s0  }
0xbe: {  	s0 =	sadd.s32 $0x8F2B, s0  }
0xbf: {  	[sflag:s0] =	ssyncadd.remote.s32 $0x1  }
0xc0: {  	_ =	sfence.sel $0xFFFF  }
0xc1: {  	[dreg:$0x0] =	wrdreg $0xFFFFFFFF;
	(pc) =	sbr.abs _section_cstart, $3  }
0xc2: {  	[dreg:$0x1] =	wrdreg $0xFFFFFFFF  }
0xc3: {  	_ =	task.clear_ibuf [dreg:s8], $0x2FFFF;
	_ =	strace $0x9FFFFFFF  }
0xc4: {  	(tm) =	ssettm $0x7FFFFFFF  }
0xc5: {  	_ =	shalt  }
tec
execute0_lowered:
.L_overlay_start_1:
0x0: {  	(tag) =	ssettag $0x1  }
0x1: {  	s1 =	srdreg.scid;
	s6 =	rddreg [dreg:$0x0]  }
0x2: {  	s0 =	stileid.u32;
	s2 =	rddreg [dreg:$0x1]  }
0x3: {  	s3 =	rddreg [dreg:$0x2];
	s5 =	simm.s32 $0x0;
	s12 =	simm.s32 $0x3  }
0x4: {  	s13 =	simm.s32 $0x80;
	s14 =	simm.s32 $0x6400;
	s15 =	simm.s32 $0xA400  }
0x5: {  	s16 =	simm.s32 $0x100;
	s17 =	simm.s32 $0xE400;
	s18 =	simm.s32 $0x180  }
0x6: {  	s19 =	simm.s32 $0x12400;
	s7 =	sand.u32 $0x1, s1;
	s31 =	sshll.u32 s0, $0x1  }
0x7: {  	s20 =	simm.s32 $0x1;
	s21 =	simm.s32 $0x16400;
	s10 =	sor.u32 s7, s31  }
0x8: {  	s22 =	simm.s32 $0x2;
	s23 =	simm.s32 $0x0;
	s4 =	smul.u32 $0x6400, s10  }
.Ltmp0:
0x9: {  	[smem:$0x7FF] =	sst s5;
	s7 =	ssub.s32 $0x2, s7;
	(pc) =	sbr.rel .LBB2_1-.Ltmp0, $4  }
0xa: {  	s1 =	rddreg [dreg:$0x3];
	_ =	strace $0x80000047;
	s9 =	sshrl.u32 s7, $0x1  }
0xb: {  	s10 =	smul.u32 $0x320000, s10;
	s11 =	ssub.s32 s7, s9;
	s8 =	sshrl.u32 s4, $0x3  }
0xc: {  	s7 =	sor.u32 $0x80, s4;
	s9 =	sor.u32 $0x180, s4;
	s6 =	sadd.s32 s8, s6  }
0xd: {  	s11 =	smax.u32 s11, $0x1;
	s8 =	sor.u32 $0x100, s4;
	s6 =	sadd.s32 $0x400, s6  }
.LBB2_14:
0xe: {  	s23 =	sadd.s32 $0x1, s23  }
0xf: {  	p0 =	sne.s32 s23, s11  }
.Ltmp1:
0x10: {  	_ = 	snop;
	(pc) =	sbr.rel @!p0 .LBB2_15-.Ltmp1, $4  }
0x11: {  	_ = 	snop  }
0x12: {  	_ =	swait.ge [sflag:s22], $0x4000  }
0x13: {  	[sflag:s22] =	ssyncset.done $0x0  }
0x14: {  	[sflag:s22] =	ssyncadd.s32 $0xFFFFC000  }
.LBB2_1:
0x15: {  	[tilespmem:s5], [sflag:$0x3] =	stream.linear.gather [hbm4b:s6+s5], $0x6400, $0x38;
	[tilespmem:$0x1A400] =	vst v63  }
0x16: {  	_ =	swait.ge [sflag:s12], $0x6400  }
0x17: {  	[sflag:s12] =	ssyncset.done $0x0  }
0x18: {  	[sflag:s12] =	ssyncadd.s32 $0xFFFF9C00  }
0x19: {  	[tilespmem:s14], [sflag:$0x1] =	stream.indirect.gather [hbm4b:s2+s13], $0x80, s5, s13, $0xb8;
	[tilespmem:$0x1A400] =	vst v63  }
0x1a: {  	_ = 	snop  }
0x1b: {  	[tilespmem:s15], [sflag:$0x1] =	stream.indirect.gather [hbm4b:s2+s13], $0x80, s13, s13, $0xb8;
	[tilespmem:$0x1A400] =	vst v63  }
0x1c: {  	_ = 	snop  }
0x1d: {  	[tilespmem:s17], [sflag:$0x1] =	stream.indirect.gather [hbm4b:s2+s13], $0x80, s16, s13, $0xb8;
	[tilespmem:$0x1A400] =	vst v63  }
0x1e: {  	s24 =	simm.s32 $0x0  }
0x1f: {  	[tilespmem:s19], [sflag:$0x1] =	stream.indirect.gather [hbm4b:s2+s13], $0x80, s18, s13, $0xb8;
	[tilespmem:$0x1A400] =	vst v63  }
.LBB2_2:
0x20: {  	_ =	swait.ge [sflag:s20], $0x4000  }
0x21: {  	[sflag:s20] =	ssyncset.done $0x0  }
0x22: {  	s25 =	simm.s32 $0x6500;
	[sflag:s20] =	ssyncadd.s32 $0xFFFFC000  }
0x23: {  	v0 =	vld [tilespmem:s25+$0xF0]  }
0x24: {  	v1 =	vld [tilespmem:s25+$0xFFFFFF10]  }
0x25: {  	v2 =	vld [tilespmem:s25+$0xFFFFFF20]  }
0x26: {  	v3 =	vld [tilespmem:s25+$0xFFFFFF30]  }
0x27: {  	v6 =	vld [tilespmem:s25+$0xFFFFFF60]  }
0x28: {  	v4 =	vld [tilespmem:s25+$0xFFFFFF40]  }
0x29: {  	v5 =	vld [tilespmem:s25+$0xFFFFFF50];
	v0 =	vmul.f32 $1.131370830e+01, v0  }
0x2a: {  	v8 =	vld [tilespmem:s25+$0xFFFFFF80];
	v1 =	vmul.f32 $1.131370830e+01, v1  }
0x2b: {  	v7 =	vld [tilespmem:s25+$0xFFFFFF70];
	v2 =	vmul.f32 $1.131370830e+01, v2;
	[tilespmem:s25+$0xF0] =	vst v0  }
0x2c: {  	v6 =	vmul.f32 $1.131370830e+01, v6;
	v0 =	vld [tilespmem:s25+$0xFFFFFF90];
	[tilespmem:s25+$0xFFFFFF10] =	vst v1  }
0x2d: {  	v1 =	vmul.f32 $1.131370830e+01, v3;
	v3 =	vld [tilespmem:s25+$0xFFFFFFA0];
	[tilespmem:s25+$0xFFFFFF20] =	vst v2;
	v2 =	vmul.f32 $1.131370830e+01, v4  }
0x2e: {  	[tilespmem:s25+$0xFFFFFF60] =	vst v6;
	v6 =	vld [tilespmem:s25+$0xFFFFFFF0]  }
0x2f: {  	v4 =	vld [tilespmem:s25+$0xFFFFFFB0];
	[tilespmem:s25+$0xFFFFFF40] =	vst v2;
	v2 =	vmul.f32 $1.131370830e+01, v8  }
0x30: {  	[tilespmem:s25+$0xFFFFFF30] =	vst v1;
	v1 =	vmul.f32 $1.131370830e+01, v5;
	v5 =	vld [tilespmem:s25+$0xFFFFFFC0]  }
0x31: {  	v8 =	vld [tilespmem:s25+$0xFFFFFFD0];
	[tilespmem:s25+$0xFFFFFF80] =	vst v2;
	v2 =	vmul.f32 $1.131370830e+01, v7  }
0x32: {  	[tilespmem:s25+$0xFFFFFF50] =	vst v1;
	v1 =	vld [tilespmem:s25+$0xFFFFFFE0];
	v0 =	vmul.f32 $1.131370830e+01, v0  }
0x33: {  	v7 =	vld [tilespmem:s25+$0x30];
	v6 =	vmul.f32 $1.131370830e+01, v6;
	[tilespmem:s25+$0xFFFFFF70] =	vst v2  }
0x34: {  	v2 =	vmul.f32 $1.131370830e+01, v3;
	v3 =	vld [tilespmem:s25+$0x0];
	[tilespmem:s25+$0xFFFFFF90] =	vst v0  }
0x35: {  	v0 =	vmul.f32 $1.131370830e+01, v4;
	v4 =	vld [tilespmem:s25+$0x10];
	[tilespmem:s25+$0xFFFFFFF0] =	vst v6  }
0x36: {  	[tilespmem:s25+$0xFFFFFFA0] =	vst v2;
	v2 =	vmul.f32 $1.131370830e+01, v5;
	v5 =	vld [tilespmem:s25+$0x20]  }
0x37: {  	v6 =	vld [tilespmem:s25+$0x80];
	[tilespmem:s25+$0xFFFFFFB0] =	vst v0;
	v0 =	vmul.f32 $1.131370830e+01, v8  }
0x38: {  	v1 =	vmul.f32 $1.131370830e+01, v1;
	[tilespmem:s25+$0xFFFFFFC0] =	vst v2;
	v2 =	vld [tilespmem:s25+$0x40]  }
0x39: {  	[tilespmem:s25+$0xFFFFFFD0] =	vst v0;
	v0 =	vmul.f32 $1.131370830e+01, v3;
	v3 =	vld [tilespmem:s25+$0x50]  }
0x3a: {  	[tilespmem:s25+$0xFFFFFFE0] =	vst v1;
	v1 =	vld [tilespmem:s25+$0x60];
	v4 =	vmul.f32 $1.131370830e+01, v4  }
0x3b: {  	[tilespmem:s25+$0x0] =	vst v0;
	v0 =	vmul.f32 $1.131370830e+01, v5;
	v5 =	vld [tilespmem:s25+$0x70]  }
0x3c: {  	v6 =	vmul.f32 $1.131370830e+01, v6;
	[tilespmem:s25+$0x10] =	vst v4  }
0x3d: {  	v4 =	vmul.f32 $1.131370830e+01, v7;
	v7 =	vld [tilespmem:s25+$0x90];
	[tilespmem:s25+$0x20] =	vst v0;
	v0 =	vmul.f32 $1.131370830e+01, v2  }
0x3e: {  	v8 =	vld [tilespmem:s25+$0xA0];
	[tilespmem:s25+$0x80] =	vst v6;
	v2 =	vmul.f32 $1.131370830e+01, v3  }
0x3f: {  	v3 =	vmul.f32 $1.131370830e+01, v1;
	[tilespmem:s25+$0x40] =	vst v0;
	v0 =	vld [tilespmem:s25+$0xB0]  }
0x40: {  	v1 =	vld [tilespmem:s25+$0xC0];
	[tilespmem:s25+$0x50] =	vst v2;
	v2 =	vmul.f32 $1.131370830e+01, v5  }
0x41: {  	[tilespmem:s25+$0x60] =	vst v3;
	v3 =	vld [tilespmem:s25+$0xD0]  }
0x42: {  	v5 =	vmul.f32 $1.131370830e+01, v7;
	[tilespmem:s25+$0x70] =	vst v2;
	v2 =	vld [tilespmem:s25+$0xE0]  }
0x43: {  	s26 =	simm.s32 $0x0;
	s28 =	simm.s32 $0x6700;
	v6 =	vmul.f32 $1.131370830e+01, v8;
	[tilespmem:s25+$0x30] =	vst v4;
	v4 =	vld [tilespmem:s25+$0xFFFFFF00]  }
.LBB2_3:
0x44: {  	v7 =	vld [tilespmem:s28+$0xF0];
	s26 =	sadd.s32 $0x4, s26;
	[tilespmem:s25+$0x90] =	vst v5;
	v0 =	vmul.f32 $1.131370830e+01, v0  }
0x45: {  	v5 =	vld [tilespmem:s28+$0xFFFFFF10];
	p0 =	slt.u32 s26, $0x7C;
	[tilespmem:s25+$0xA0] =	vst v6;
	v1 =	vmul.f32 $1.131370830e+01, v1  }
0x46: {  	v6 =	vld [tilespmem:s28+$0xFFFFFF20];
	[tilespmem:s25+$0xB0] =	vst v0;
	v0 =	vmul.f32 $1.131370830e+01, v3  }
0x47: {  	v3 =	vld [tilespmem:s28+$0xFFFFFF30];
	[tilespmem:s25+$0xC0] =	vst v1;
	v1 =	vmul.f32 $1.131370830e+01, v2  }
0x48: {  	v2 =	vld [tilespmem:s28+$0xFFFFFF40];
	v4 =	vmul.f32 $1.131370830e+01, v4;
	[tilespmem:s25+$0xD0] =	vst v0  }
0x49: {  	v0 =	vld [tilespmem:s28+$0xFFFFFF50];
	v7 =	vmul.f32 $1.131370830e+01, v7;
	[tilespmem:s25+$0xE0] =	vst v1  }
0x4a: {  	v1 =	vmul.f32 $1.131370830e+01, v5;
	v5 =	vld [tilespmem:s28+$0xFFFFFF60];
	[tilespmem:s25+$0xFFFFFF00] =	vst v4;
	s25 =	smov.u32 s28  }
0x4b: {  	v4 =	vmul.f32 $1.131370830e+01, v6;
	v6 =	vld [tilespmem:s28+$0xFFFFFF70];
	[tilespmem:s28+$0xF0] =	vst v7  }
0x4c: {  	[tilespmem:s28+$0xFFFFFF10] =	vst v1;
	v1 =	vmul.f32 $1.131370830e+01, v3;
	v3 =	vld [tilespmem:s28+$0xFFFFFF80]  }
0x4d: {  	[tilespmem:s28+$0xFFFFFF20] =	vst v4;
	v2 =	vmul.f32 $1.131370830e+01, v2;
	v4 =	vld [tilespmem:s28+$0xFFFFFF90]  }
0x4e: {  	[tilespmem:s28+$0xFFFFFF30] =	vst v1;
	v0 =	vmul.f32 $1.131370830e+01, v0;
	v1 =	vld [tilespmem:s28+$0xFFFFFFA0]  }
0x4f: {  	[tilespmem:s28+$0xFFFFFF40] =	vst v2;
	v2 =	vmul.f32 $1.131370830e+01, v5;
	v5 =	vld [tilespmem:s28+$0xFFFFFFB0]  }
0x50: {  	[tilespmem:s28+$0xFFFFFF50] =	vst v0;
	v0 =	vmul.f32 $1.131370830e+01, v6;
	v6 =	vld [tilespmem:s28+$0xFFFFFFC0]  }
0x51: {  	[tilespmem:s28+$0xFFFFFF60] =	vst v2;
	v2 =	vmul.f32 $1.131370830e+01, v3;
	v3 =	vld [tilespmem:s28+$0xFFFFFFD0]  }
0x52: {  	[tilespmem:s28+$0xFFFFFF70] =	vst v0;
	v0 =	vmul.f32 $1.131370830e+01, v4;
	v4 =	vld [tilespmem:s28+$0xFFFFFFE0]  }
0x53: {  	[tilespmem:s28+$0xFFFFFF80] =	vst v2;
	v1 =	vmul.f32 $1.131370830e+01, v1;
	v2 =	vld [tilespmem:s28+$0xFFFFFFF0]  }
0x54: {  	[tilespmem:s28+$0xFFFFFF90] =	vst v0;
	v0 =	vmul.f32 $1.131370830e+01, v5;
	v5 =	vld [tilespmem:s28+$0x0]  }
0x55: {  	[tilespmem:s28+$0xFFFFFFA0] =	vst v1;
	v1 =	vmul.f32 $1.131370830e+01, v6;
	v6 =	vld [tilespmem:s28+$0x10]  }
0x56: {  	[tilespmem:s28+$0xFFFFFFB0] =	vst v0;
	v0 =	vmul.f32 $1.131370830e+01, v3;
	v3 =	vld [tilespmem:s28+$0x20]  }
0x57: {  	[tilespmem:s28+$0xFFFFFFC0] =	vst v1;
	v1 =	vmul.f32 $1.131370830e+01, v4;
	v4 =	vld [tilespmem:s28+$0x30]  }
0x58: {  	[tilespmem:s28+$0xFFFFFFD0] =	vst v0;
	v0 =	vmul.f32 $1.131370830e+01, v2;
	v2 =	vld [tilespmem:s28+$0x40]  }
0x59: {  	[tilespmem:s28+$0xFFFFFFE0] =	vst v1;
	v1 =	vmul.f32 $1.131370830e+01, v5;
	v5 =	vld [tilespmem:s28+$0x50]  }
0x5a: {  	[tilespmem:s28+$0xFFFFFFF0] =	vst v0;
	v0 =	vmul.f32 $1.131370830e+01, v6;
	v6 =	vld [tilespmem:s28+$0x60]  }
0x5b: {  	[tilespmem:s28+$0x0] =	vst v1;
	v1 =	vmul.f32 $1.131370830e+01, v3;
	v3 =	vld [tilespmem:s28+$0x70]  }
0x5c: {  	[tilespmem:s28+$0x10] =	vst v0;
	v0 =	vmul.f32 $1.131370830e+01, v4;
	v4 =	vld [tilespmem:s28+$0x80]  }
0x5d: {  	[tilespmem:s28+$0x20] =	vst v1;
	v1 =	vmul.f32 $1.131370830e+01, v2;
	v2 =	vld [tilespmem:s28+$0x90]  }
0x5e: {  	[tilespmem:s28+$0x30] =	vst v0;
	v5 =	vmul.f32 $1.131370830e+01, v5;
	v7 =	vld [tilespmem:s28+$0xA0]  }
.Ltmp2:
0x5f: {  	[tilespmem:s28+$0x40] =	vst v1;
	v6 =	vmul.f32 $1.131370830e+01, v6;
	v0 =	vld [tilespmem:s28+$0xB0];
	(pc) =	sbr.rel @p0 .LBB2_3-.Ltmp2, $4  }
0x60: {  	[tilespmem:s28+$0x50] =	vst v5;
	v5 =	vmul.f32 $1.131370830e+01, v3;
	v1 =	vld [tilespmem:s28+$0xC0]  }
0x61: {  	[tilespmem:s28+$0x60] =	vst v6;
	v6 =	vmul.f32 $1.131370830e+01, v4;
	v3 =	vld [tilespmem:s28+$0xD0]  }
0x62: {  	[tilespmem:s28+$0x70] =	vst v5;
	v5 =	vmul.f32 $1.131370830e+01, v2;
	v2 =	vld [tilespmem:s28+$0xE0]  }
0x63: {  	s28 =	sadd.s32 $0x200, s28;
	v4 =	vld [tilespmem:s25+$0xFFFFFF00];
	[tilespmem:s25+$0x80] =	vst v6;
	v6 =	vmul.f32 $1.131370830e+01, v7  }
0x64: {  	[tilespmem:s25+$0x90] =	vst v5;
	v0 =	vmul.f32 $1.131370830e+01, v0  }
0x65: {  	[tilespmem:s25+$0xA0] =	vst v6;
	v1 =	vmul.f32 $1.131370830e+01, v1  }
0x66: {  	s26 =	smul.u32 $0x280, s24;
	[tilespmem:s25+$0xB0] =	vst v0;
	v0 =	vmul.f32 $1.131370830e+01, v3  }
0x67: {  	[tilespmem:s25+$0xC0] =	vst v1;
	v1 =	vmul.f32 $1.131370830e+01, v2  }
0x68: {  	s28 =	sadd.s32 s4, s26;
	v2 =	vmul.f32 $1.131370830e+01, v4;
	[tilespmem:s25+$0xD0] =	vst v0  }
0x69: {  	s28 =	sshll.u32 s28, $0x4;
	[tilespmem:s25+$0xE0] =	vst v1  }
0x6a: {  	s31 =	sadd.s32 s3, s28;
	[tilespmem:s25+$0xFFFFFF00] =	vst v2  }
0x6b: {  	[hbm4b:s31+s5] =	stream.linear.scatter [tilespmem:s14], [sflag:$0x2], $0x4000, $0x38;
	[tilespmem:$0x1A400] =	vst v63  }
0x6c: {  	p0 =	seq.s32 s24, $0x0;
	s31 =	smul.u32 $0x5, s24  }
0x6d: {  	s28 =	simm.s32 @!p0 $0x2  }
0x6e: {  	_ =	swait.ge @!p0 [sflag:s28], $0x4000;
	s25 =	sadd.s32 $0x4, s31  }
0x6f: {  	[sflag:s28] =	ssyncset.done @!p0 $0x0;
	s29 =	sshll.u32 s25, $0x7  }
0x70: {  	[sflag:s28] =	ssyncadd.s32 @!p0 $0xFFFFC000;
	s28 =	sand.u32 $0x3FFFFF80, s29  }
0x71: {  	[tilespmem:s21], [sflag:$0x1] =	stream.indirect.gather [hbm4b:s2+s13], $0x80, s28, s13, $0xb8;
	[tilespmem:$0x1A400] =	vst v63  }
0x72: {  	_ =	swait.ge [sflag:s20], $0x4000  }
0x73: {  	[sflag:s20] =	ssyncset.done $0x0  }
0x74: {  	s28 =	simm.s32 $0xA400;
	[sflag:s20] =	ssyncadd.s32 $0xFFFFC000  }
0x75: {  	v0 =	vld [tilespmem:s28+$0x1F0]  }
0x76: {  	v1 =	vld [tilespmem:s28+$0x10]  }
0x77: {  	v2 =	vld [tilespmem:s28+$0x20]  }
0x78: {  	v3 =	vld [tilespmem:s28+$0x30]  }
0x79: {  	v6 =	vld [tilespmem:s28+$0x60]  }
0x7a: {  	v4 =	vld [tilespmem:s28+$0x40]  }
0x7b: {  	v5 =	vld [tilespmem:s28+$0x50];
	v0 =	vmul.f32 $1.131370830e+01, v0  }
0x7c: {  	v8 =	vld [tilespmem:s28+$0x80];
	v1 =	vmul.f32 $1.131370830e+01, v1  }
0x7d: {  	v7 =	vld [tilespmem:s28+$0x70];
	v2 =	vmul.f32 $1.131370830e+01, v2;
	[tilespmem:s28+$0x1F0] =	vst v0  }
0x7e: {  	v6 =	vmul.f32 $1.131370830e+01, v6;
	v0 =	vld [tilespmem:s28+$0x90];
	[tilespmem:s28+$0x10] =	vst v1  }
0x7f: {  	v1 =	vmul.f32 $1.131370830e+01, v3;
	v3 =	vld [tilespmem:s28+$0xA0];
	[tilespmem:s28+$0x20] =	vst v2;
	v2 =	vmul.f32 $1.131370830e+01, v4  }
0x80: {  	[tilespmem:s28+$0x60] =	vst v6;
	v6 =	vld [tilespmem:s28+$0xF0]  }
0x81: {  	v4 =	vld [tilespmem:s28+$0xB0];
	[tilespmem:s28+$0x40] =	vst v2;
	v2 =	vmul.f32 $1.131370830e+01, v8  }
0x82: {  	[tilespmem:s28+$0x30] =	vst v1;
	v1 =	vmul.f32 $1.131370830e+01, v5;
	v5 =	vld [tilespmem:s28+$0xC0]  }
0x83: {  	v8 =	vld [tilespmem:s28+$0xD0];
	[tilespmem:s28+$0x80] =	vst v2;
	v2 =	vmul.f32 $1.131370830e+01, v7  }
0x84: {  	[tilespmem:s28+$0x50] =	vst v1;
	v1 =	vld [tilespmem:s28+$0xE0];
	v0 =	vmul.f32 $1.131370830e+01, v0  }
0x85: {  	v7 =	vld [tilespmem:s28+$0x130];
	v6 =	vmul.f32 $1.131370830e+01, v6;
	[tilespmem:s28+$0x70] =	vst v2  }
0x86: {  	v2 =	vmul.f32 $1.131370830e+01, v3;
	v3 =	vld [tilespmem:s28+$0x100];
	[tilespmem:s28+$0x90] =	vst v0  }
0x87: {  	v0 =	vmul.f32 $1.131370830e+01, v4;
	v4 =	vld [tilespmem:s28+$0x110];
	[tilespmem:s28+$0xF0] =	vst v6  }
0x88: {  	[tilespmem:s28+$0xA0] =	vst v2;
	v2 =	vmul.f32 $1.131370830e+01, v5;
	v5 =	vld [tilespmem:s28+$0x120]  }
0x89: {  	v6 =	vld [tilespmem:s28+$0x180];
	[tilespmem:s28+$0xB0] =	vst v0;
	v0 =	vmul.f32 $1.131370830e+01, v8  }
0x8a: {  	v1 =	vmul.f32 $1.131370830e+01, v1;
	[tilespmem:s28+$0xC0] =	vst v2;
	v2 =	vld [tilespmem:s28+$0x140]  }
0x8b: {  	[tilespmem:s28+$0xD0] =	vst v0;
	v0 =	vmul.f32 $1.131370830e+01, v3  }
0x8c: {  	v3 =	vld [tilespmem:s28+$0x150];
	[tilespmem:s28+$0xE0] =	vst v1;
	v4 =	vmul.f32 $1.131370830e+01, v4  }
0x8d: {  	v1 =	vld [tilespmem:s28+$0x160];
	[tilespmem:s28+$0x100] =	vst v0;
	v0 =	vmul.f32 $1.131370830e+01, v5  }
0x8e: {  	v6 =	vmul.f32 $1.131370830e+01, v6;
	v5 =	vld [tilespmem:s28+$0x170];
	[tilespmem:s28+$0x110] =	vst v4  }
0x8f: {  	v4 =	vmul.f32 $1.131370830e+01, v7;
	v7 =	vld [tilespmem:s28+$0x190];
	[tilespmem:s28+$0x120] =	vst v0;
	v0 =	vmul.f32 $1.131370830e+01, v2  }
0x90: {  	v8 =	vld [tilespmem:s28+$0x1A0];
	[tilespmem:s28+$0x180] =	vst v6  }
0x91: {  	v2 =	vmul.f32 $1.131370830e+01, v3;
	[tilespmem:s28+$0x140] =	vst v0;
	v0 =	vld [tilespmem:s28+$0x1B0]  }
0x92: {  	[tilespmem:s28+$0x130] =	vst v4;
	v3 =	vmul.f32 $1.131370830e+01, v1;
	v1 =	vld [tilespmem:s28+$0x1C0]  }
0x93: {  	[tilespmem:s28+$0x150] =	vst v2;
	v4 =	vmul.f32 $1.131370830e+01, v5;
	v2 =	vld [tilespmem:s28+$0x1D0]  }
0x94: {  	[tilespmem:s28+$0x160] =	vst v3;
	v3 =	vld [tilespmem:s28+$0x1E0];
	v5 =	vmul.f32 $1.131370830e+01, v7  }
0x95: {  	s30 =	simm.s32 $0xA600;
	s29 =	simm.s32 $0x0;
	v6 =	vmul.f32 $1.131370830e+01, v8;
	[tilespmem:s28+$0x170] =	vst v4;
	v4 =	vld [tilespmem:s28+$0x0]  }
.LBB2_5:
0x96: {  	v7 =	vld [tilespmem:s30+$0x1F0];
	s29 =	sadd.s32 $0x4, s29;
	[tilespmem:s28+$0x190] =	vst v5;
	v0 =	vmul.f32 $1.131370830e+01, v0  }
0x97: {  	v5 =	vld [tilespmem:s30+$0x10];
	p0 =	slt.u32 s29, $0x7C;
	[tilespmem:s28+$0x1A0] =	vst v6;
	v1 =	vmul.f32 $1.131370830e+01, v1  }
0x98: {  	v6 =	vld [tilespmem:s30+$0x20];
	[tilespmem:s28+$0x1B0] =	vst v0;
	v0 =	vmul.f32 $1.131370830e+01, v2  }
0x99: {  	v2 =	vld [tilespmem:s30+$0x30];
	[tilespmem:s28+$0x1C0] =	vst v1;
	v1 =	vmul.f32 $1.131370830e+01, v3  }
0x9a: {  	v3 =	vld [tilespmem:s30+$0x40];
	v4 =	vmul.f32 $1.131370830e+01, v4;
	[tilespmem:s28+$0x1D0] =	vst v0  }
0x9b: {  	v0 =	vld [tilespmem:s30+$0x50];
	v7 =	vmul.f32 $1.131370830e+01, v7;
	[tilespmem:s28+$0x1E0] =	vst v1  }
0x9c: {  	v1 =	vmul.f32 $1.131370830e+01, v5;
	v5 =	vld [tilespmem:s30+$0x60];
	[tilespmem:s28+$0x0] =	vst v4;
	s28 =	smov.u32 s30  }
0x9d: {  	v4 =	vmul.f32 $1.131370830e+01, v6;
	v6 =	vld [tilespmem:s30+$0x70];
	[tilespmem:s30+$0x1F0] =	vst v7  }
0x9e: {  	[tilespmem:s30+$0x10] =	vst v1;
	v1 =	vmul.f32 $1.131370830e+01, v2;
	v2 =	vld [tilespmem:s30+$0x80]  }
0x9f: {  	[tilespmem:s30+$0x20] =	vst v4;
	v3 =	vmul.f32 $1.131370830e+01, v3;
	v4 =	vld [tilespmem:s30+$0x90]  }
0xa0: {  	[tilespmem:s30+$0x30] =	vst v1;
	v0 =	vmul.f32 $1.131370830e+01, v0;
	v1 =	vld [tilespmem:s30+$0xA0]  }
0xa1: {  	[tilespmem:s30+$0x40] =	vst v3;
	v3 =	vmul.f32 $1.131370830e+01, v5;
	v5 =	vld [tilespmem:s30+$0xB0]  }
0xa2: {  	[tilespmem:s30+$0x50] =	vst v0;
	v0 =	vmul.f32 $1.131370830e+01, v6;
	v6 =	vld [tilespmem:s30+$0xC0]  }
0xa3: {  	[tilespmem:s30+$0x60] =	vst v3;
	v2 =	vmul.f32 $1.131370830e+01, v2;
	v3 =	vld [tilespmem:s30+$0xD0]  }
0xa4: {  	[tilespmem:s30+$0x70] =	vst v0;
	v0 =	vmul.f32 $1.131370830e+01, v4;
	v4 =	vld [tilespmem:s30+$0xE0]  }
0xa5: {  	[tilespmem:s30+$0x80] =	vst v2;
	v1 =	vmul.f32 $1.131370830e+01, v1;
	v2 =	vld [tilespmem:s30+$0xF0]  }
0xa6: {  	[tilespmem:s30+$0x90] =	vst v0;
	v0 =	vmul.f32 $1.131370830e+01, v5;
	v5 =	vld [tilespmem:s30+$0x100]  }
0xa7: {  	[tilespmem:s30+$0xA0] =	vst v1;
	v1 =	vmul.f32 $1.131370830e+01, v6;
	v6 =	vld [tilespmem:s30+$0x110]  }
0xa8: {  	[tilespmem:s30+$0xB0] =	vst v0;
	v0 =	vmul.f32 $1.131370830e+01, v3;
	v3 =	vld [tilespmem:s30+$0x120]  }
0xa9: {  	[tilespmem:s30+$0xC0] =	vst v1;
	v1 =	vmul.f32 $1.131370830e+01, v4;
	v4 =	vld [tilespmem:s30+$0x130]  }
0xaa: {  	[tilespmem:s30+$0xD0] =	vst v0;
	v0 =	vmul.f32 $1.131370830e+01, v2;
	v2 =	vld [tilespmem:s30+$0x140]  }
0xab: {  	[tilespmem:s30+$0xE0] =	vst v1;
	v1 =	vmul.f32 $1.131370830e+01, v5;
	v5 =	vld [tilespmem:s30+$0x150]  }
0xac: {  	[tilespmem:s30+$0xF0] =	vst v0;
	v0 =	vmul.f32 $1.131370830e+01, v6;
	v6 =	vld [tilespmem:s30+$0x160]  }
0xad: {  	[tilespmem:s30+$0x100] =	vst v1;
	v1 =	vmul.f32 $1.131370830e+01, v3;
	v3 =	vld [tilespmem:s30+$0x170]  }
0xae: {  	[tilespmem:s30+$0x110] =	vst v0;
	v0 =	vmul.f32 $1.131370830e+01, v4;
	v4 =	vld [tilespmem:s30+$0x180]  }
0xaf: {  	[tilespmem:s30+$0x120] =	vst v1;
	v1 =	vmul.f32 $1.131370830e+01, v2;
	v7 =	vld [tilespmem:s30+$0x190]  }
0xb0: {  	[tilespmem:s30+$0x130] =	vst v0;
	v2 =	vmul.f32 $1.131370830e+01, v5;
	v8 =	vld [tilespmem:s30+$0x1A0]  }
.Ltmp3:
0xb1: {  	[tilespmem:s30+$0x140] =	vst v1;
	v5 =	vmul.f32 $1.131370830e+01, v6;
	v0 =	vld [tilespmem:s30+$0x1B0];
	(pc) =	sbr.rel @p0 .LBB2_5-.Ltmp3, $4  }
0xb2: {  	[tilespmem:s30+$0x150] =	vst v2;
	v3 =	vmul.f32 $1.131370830e+01, v3;
	v1 =	vld [tilespmem:s30+$0x1C0]  }
0xb3: {  	[tilespmem:s30+$0x160] =	vst v5;
	v6 =	vmul.f32 $1.131370830e+01, v4;
	v2 =	vld [tilespmem:s30+$0x1D0]  }
0xb4: {  	[tilespmem:s30+$0x170] =	vst v3;
	v5 =	vmul.f32 $1.131370830e+01, v7;
	v3 =	vld [tilespmem:s30+$0x1E0]  }
0xb5: {  	s30 =	sadd.s32 $0x200, s30;
	v4 =	vld [tilespmem:s28+$0x0];
	[tilespmem:s28+$0x180] =	vst v6;
	v6 =	vmul.f32 $1.131370830e+01, v8  }
0xb6: {  	[tilespmem:s28+$0x190] =	vst v5;
	v0 =	vmul.f32 $1.131370830e+01, v0  }
0xb7: {  	[tilespmem:s28+$0x1A0] =	vst v6;
	v1 =	vmul.f32 $1.131370830e+01, v1  }
0xb8: {  	[tilespmem:s28+$0x1B0] =	vst v0;
	v0 =	vmul.f32 $1.131370830e+01, v2  }
0xb9: {  	[tilespmem:s28+$0x1C0] =	vst v1;
	v1 =	vmul.f32 $1.131370830e+01, v3  }
0xba: {  	s29 =	sadd.s32 s26, s7;
	v2 =	vmul.f32 $1.131370830e+01, v4;
	[tilespmem:s28+$0x1D0] =	vst v0  }
0xbb: {  	s29 =	sshll.u32 s29, $0x4;
	[tilespmem:s28+$0x1E0] =	vst v1  }
0xbc: {  	p0 =	seq.s32 s24, $0x27;
	[tilespmem:s28+$0x0] =	vst v2;
	s28 =	sadd.s32 s3, s29  }
0xbd: {  	[hbm4b:s28+s5] =	stream.linear.scatter [tilespmem:s15], [sflag:$0x2], $0x4000, $0x38;
	[tilespmem:$0x1A400] =	vst v63  }
0xbe: {  	s28 =	smul.u32 @!p0 $0xA00, s24  }
0xbf: {  	_ =	swait.ge [sflag:s22], $0x4000  }
0xc0: {  	s30 =	simm.s32 @!p0 $0x80;
	[sflag:s22] =	ssyncset.done $0x0;
	s28 =	sshra.s32 @!p0 s28, $0x2  }
0xc1: {  	s31 =	simm.s32 @!p0 $0x6400;
	[sflag:s22] =	ssyncadd.s32 $0xFFFFC000;
	s29 =	sadd.s32 @!p0 $0x280, s28  }
0xc2: {  	[tilespmem:s31], [sflag:$0x1] =	stream.indirect.gather @!p0 [hbm4b:s2+s30], $0x80, s29, s30, $0xb8;
	[tilespmem:$0x1A400] =	vst v63  }
0xc3: {  	_ =	swait.ge [sflag:s20], $0x4000  }
0xc4: {  	[sflag:s20] =	ssyncset.done $0x0  }
0xc5: {  	s29 =	simm.s32 $0xE400;
	[sflag:s20] =	ssyncadd.s32 $0xFFFFC000  }
0xc6: {  	v0 =	vld [tilespmem:s29+$0x1F0]  }
0xc7: {  	v1 =	vld [tilespmem:s29+$0x10]  }
0xc8: {  	v2 =	vld [tilespmem:s29+$0x20]  }
0xc9: {  	v3 =	vld [tilespmem:s29+$0x30]  }
0xca: {  	v6 =	vld [tilespmem:s29+$0x60]  }
0xcb: {  	v4 =	vld [tilespmem:s29+$0x40]  }
0xcc: {  	v5 =	vld [tilespmem:s29+$0x50];
	v0 =	vmul.f32 $1.131370830e+01, v0  }
0xcd: {  	v8 =	vld [tilespmem:s29+$0x80];
	v1 =	vmul.f32 $1.131370830e+01, v1  }
0xce: {  	v7 =	vld [tilespmem:s29+$0x70];
	v2 =	vmul.f32 $1.131370830e+01, v2;
	[tilespmem:s29+$0x1F0] =	vst v0  }
0xcf: {  	v6 =	vmul.f32 $1.131370830e+01, v6;
	v0 =	vld [tilespmem:s29+$0x90];
	[tilespmem:s29+$0x10] =	vst v1  }
0xd0: {  	v1 =	vmul.f32 $1.131370830e+01, v3;
	v3 =	vld [tilespmem:s29+$0xA0];
	[tilespmem:s29+$0x20] =	vst v2;
	v2 =	vmul.f32 $1.131370830e+01, v4  }
0xd1: {  	[tilespmem:s29+$0x60] =	vst v6;
	v6 =	vld [tilespmem:s29+$0xF0]  }
0xd2: {  	v4 =	vld [tilespmem:s29+$0xB0];
	[tilespmem:s29+$0x40] =	vst v2;
	v2 =	vmul.f32 $1.131370830e+01, v8  }
0xd3: {  	[tilespmem:s29+$0x30] =	vst v1;
	v1 =	vmul.f32 $1.131370830e+01, v5;
	v5 =	vld [tilespmem:s29+$0xC0]  }
0xd4: {  	v8 =	vld [tilespmem:s29+$0xD0];
	[tilespmem:s29+$0x80] =	vst v2;
	v2 =	vmul.f32 $1.131370830e+01, v7  }
0xd5: {  	[tilespmem:s29+$0x50] =	vst v1;
	v1 =	vld [tilespmem:s29+$0xE0];
	v0 =	vmul.f32 $1.131370830e+01, v0  }
0xd6: {  	v7 =	vld [tilespmem:s29+$0x130];
	v6 =	vmul.f32 $1.131370830e+01, v6;
	[tilespmem:s29+$0x70] =	vst v2  }
0xd7: {  	v2 =	vmul.f32 $1.131370830e+01, v3;
	v3 =	vld [tilespmem:s29+$0x100];
	[tilespmem:s29+$0x90] =	vst v0  }
0xd8: {  	v0 =	vmul.f32 $1.131370830e+01, v4;
	v4 =	vld [tilespmem:s29+$0x110];
	[tilespmem:s29+$0xF0] =	vst v6  }
0xd9: {  	[tilespmem:s29+$0xA0] =	vst v2;
	v2 =	vmul.f32 $1.131370830e+01, v5;
	v5 =	vld [tilespmem:s29+$0x120]  }
0xda: {  	v6 =	vld [tilespmem:s29+$0x180];
	[tilespmem:s29+$0xB0] =	vst v0;
	v0 =	vmul.f32 $1.131370830e+01, v8  }
0xdb: {  	v1 =	vmul.f32 $1.131370830e+01, v1;
	[tilespmem:s29+$0xC0] =	vst v2;
	v2 =	vld [tilespmem:s29+$0x140]  }
0xdc: {  	[tilespmem:s29+$0xD0] =	vst v0;
	v0 =	vmul.f32 $1.131370830e+01, v3  }
0xdd: {  	v3 =	vld [tilespmem:s29+$0x150];
	[tilespmem:s29+$0xE0] =	vst v1;
	v4 =	vmul.f32 $1.131370830e+01, v4  }
0xde: {  	v1 =	vld [tilespmem:s29+$0x160];
	[tilespmem:s29+$0x100] =	vst v0;
	v0 =	vmul.f32 $1.131370830e+01, v5  }
0xdf: {  	v6 =	vmul.f32 $1.131370830e+01, v6;
	v5 =	vld [tilespmem:s29+$0x170];
	[tilespmem:s29+$0x110] =	vst v4  }
0xe0: {  	v4 =	vmul.f32 $1.131370830e+01, v7;
	v7 =	vld [tilespmem:s29+$0x190];
	[tilespmem:s29+$0x120] =	vst v0;
	v0 =	vmul.f32 $1.131370830e+01, v2  }
0xe1: {  	v8 =	vld [tilespmem:s29+$0x1A0];
	[tilespmem:s29+$0x180] =	vst v6  }
0xe2: {  	v2 =	vmul.f32 $1.131370830e+01, v3;
	[tilespmem:s29+$0x140] =	vst v0;
	v0 =	vld [tilespmem:s29+$0x1B0]  }
0xe3: {  	[tilespmem:s29+$0x130] =	vst v4;
	v3 =	vmul.f32 $1.131370830e+01, v1;
	v1 =	vld [tilespmem:s29+$0x1C0]  }
0xe4: {  	[tilespmem:s29+$0x150] =	vst v2;
	v4 =	vmul.f32 $1.131370830e+01, v5;
	v2 =	vld [tilespmem:s29+$0x1D0]  }
0xe5: {  	[tilespmem:s29+$0x160] =	vst v3;
	v3 =	vld [tilespmem:s29+$0x1E0];
	v5 =	vmul.f32 $1.131370830e+01, v7  }
0xe6: {  	s30 =	simm.s32 $0x0;
	s31 =	simm.s32 $0xE600;
	v6 =	vmul.f32 $1.131370830e+01, v8;
	[tilespmem:s29+$0x170] =	vst v4;
	v4 =	vld [tilespmem:s29+$0x0]  }
.LBB2_7:
0xe7: {  	v7 =	vld [tilespmem:s31+$0x1F0];
	s30 =	sadd.s32 $0x4, s30;
	[tilespmem:s29+$0x190] =	vst v5;
	v0 =	vmul.f32 $1.131370830e+01, v0  }
0xe8: {  	v5 =	vld [tilespmem:s31+$0x10];
	p1 =	slt.u32 s30, $0x7C;
	[tilespmem:s29+$0x1A0] =	vst v6;
	v1 =	vmul.f32 $1.131370830e+01, v1  }
0xe9: {  	v6 =	vld [tilespmem:s31+$0x20];
	[tilespmem:s29+$0x1B0] =	vst v0;
	v0 =	vmul.f32 $1.131370830e+01, v2  }
0xea: {  	v2 =	vld [tilespmem:s31+$0x30];
	[tilespmem:s29+$0x1C0] =	vst v1;
	v1 =	vmul.f32 $1.131370830e+01, v3  }
0xeb: {  	v3 =	vld [tilespmem:s31+$0x40];
	v4 =	vmul.f32 $1.131370830e+01, v4;
	[tilespmem:s29+$0x1D0] =	vst v0  }
0xec: {  	v0 =	vld [tilespmem:s31+$0x50];
	v7 =	vmul.f32 $1.131370830e+01, v7;
	[tilespmem:s29+$0x1E0] =	vst v1  }
0xed: {  	v1 =	vmul.f32 $1.131370830e+01, v5;
	v5 =	vld [tilespmem:s31+$0x60];
	[tilespmem:s29+$0x0] =	vst v4;
	s29 =	smov.u32 s31  }
0xee: {  	v4 =	vmul.f32 $1.131370830e+01, v6;
	v6 =	vld [tilespmem:s31+$0x70];
	[tilespmem:s31+$0x1F0] =	vst v7  }
0xef: {  	[tilespmem:s31+$0x10] =	vst v1;
	v1 =	vmul.f32 $1.131370830e+01, v2;
	v2 =	vld [tilespmem:s31+$0x80]  }
0xf0: {  	[tilespmem:s31+$0x20] =	vst v4;
	v3 =	vmul.f32 $1.131370830e+01, v3;
	v4 =	vld [tilespmem:s31+$0x90]  }
0xf1: {  	[tilespmem:s31+$0x30] =	vst v1;
	v0 =	vmul.f32 $1.131370830e+01, v0;
	v1 =	vld [tilespmem:s31+$0xA0]  }
0xf2: {  	[tilespmem:s31+$0x40] =	vst v3;
	v3 =	vmul.f32 $1.131370830e+01, v5;
	v5 =	vld [tilespmem:s31+$0xB0]  }
0xf3: {  	[tilespmem:s31+$0x50] =	vst v0;
	v0 =	vmul.f32 $1.131370830e+01, v6;
	v6 =	vld [tilespmem:s31+$0xC0]  }
0xf4: {  	[tilespmem:s31+$0x60] =	vst v3;
	v2 =	vmul.f32 $1.131370830e+01, v2;
	v3 =	vld [tilespmem:s31+$0xD0]  }
0xf5: {  	[tilespmem:s31+$0x70] =	vst v0;
	v0 =	vmul.f32 $1.131370830e+01, v4;
	v4 =	vld [tilespmem:s31+$0xE0]  }
0xf6: {  	[tilespmem:s31+$0x80] =	vst v2;
	v1 =	vmul.f32 $1.131370830e+01, v1;
	v2 =	vld [tilespmem:s31+$0xF0]  }
0xf7: {  	[tilespmem:s31+$0x90] =	vst v0;
	v0 =	vmul.f32 $1.131370830e+01, v5;
	v5 =	vld [tilespmem:s31+$0x100]  }
0xf8: {  	[tilespmem:s31+$0xA0] =	vst v1;
	v1 =	vmul.f32 $1.131370830e+01, v6;
	v6 =	vld [tilespmem:s31+$0x110]  }
0xf9: {  	[tilespmem:s31+$0xB0] =	vst v0;
	v0 =	vmul.f32 $1.131370830e+01, v3;
	v3 =	vld [tilespmem:s31+$0x120]  }
0xfa: {  	[tilespmem:s31+$0xC0] =	vst v1;
	v1 =	vmul.f32 $1.131370830e+01, v4;
	v4 =	vld [tilespmem:s31+$0x130]  }
0xfb: {  	[tilespmem:s31+$0xD0] =	vst v0;
	v0 =	vmul.f32 $1.131370830e+01, v2;
	v2 =	vld [tilespmem:s31+$0x140]  }
0xfc: {  	[tilespmem:s31+$0xE0] =	vst v1;
	v1 =	vmul.f32 $1.131370830e+01, v5;
	v5 =	vld [tilespmem:s31+$0x150]  }
0xfd: {  	[tilespmem:s31+$0xF0] =	vst v0;
	v0 =	vmul.f32 $1.131370830e+01, v6;
	v6 =	vld [tilespmem:s31+$0x160]  }
0xfe: {  	[tilespmem:s31+$0x100] =	vst v1;
	v1 =	vmul.f32 $1.131370830e+01, v3;
	v3 =	vld [tilespmem:s31+$0x170]  }
0xff: {  	[tilespmem:s31+$0x110] =	vst v0;
	v0 =	vmul.f32 $1.131370830e+01, v4;
	v4 =	vld [tilespmem:s31+$0x180]  }
0x100: {  	[tilespmem:s31+$0x120] =	vst v1;
	v1 =	vmul.f32 $1.131370830e+01, v2;
	v7 =	vld [tilespmem:s31+$0x190]  }
0x101: {  	[tilespmem:s31+$0x130] =	vst v0;
	v2 =	vmul.f32 $1.131370830e+01, v5;
	v8 =	vld [tilespmem:s31+$0x1A0]  }
.Ltmp4:
0x102: {  	[tilespmem:s31+$0x140] =	vst v1;
	v5 =	vmul.f32 $1.131370830e+01, v6;
	v0 =	vld [tilespmem:s31+$0x1B0];
	(pc) =	sbr.rel @p1 .LBB2_7-.Ltmp4, $4  }
0x103: {  	[tilespmem:s31+$0x150] =	vst v2;
	v3 =	vmul.f32 $1.131370830e+01, v3;
	v1 =	vld [tilespmem:s31+$0x1C0]  }
0x104: {  	[tilespmem:s31+$0x160] =	vst v5;
	v6 =	vmul.f32 $1.131370830e+01, v4;
	v2 =	vld [tilespmem:s31+$0x1D0]  }
0x105: {  	[tilespmem:s31+$0x170] =	vst v3;
	v5 =	vmul.f32 $1.131370830e+01, v7;
	v3 =	vld [tilespmem:s31+$0x1E0]  }
0x106: {  	s31 =	sadd.s32 $0x200, s31;
	v4 =	vld [tilespmem:s29+$0x0];
	[tilespmem:s29+$0x180] =	vst v6;
	v6 =	vmul.f32 $1.131370830e+01, v8  }
0x107: {  	[tilespmem:s29+$0x190] =	vst v5;
	v0 =	vmul.f32 $1.131370830e+01, v0  }
0x108: {  	[tilespmem:s29+$0x1A0] =	vst v6;
	v1 =	vmul.f32 $1.131370830e+01, v1  }
0x109: {  	[tilespmem:s29+$0x1B0] =	vst v0;
	v0 =	vmul.f32 $1.131370830e+01, v2  }
0x10a: {  	[tilespmem:s29+$0x1C0] =	vst v1;
	v1 =	vmul.f32 $1.131370830e+01, v3  }
0x10b: {  	s30 =	sadd.s32 s26, s8;
	v2 =	vmul.f32 $1.131370830e+01, v4;
	[tilespmem:s29+$0x1D0] =	vst v0  }
0x10c: {  	s30 =	sshll.u32 s30, $0x4;
	[tilespmem:s29+$0x1E0] =	vst v1  }
0x10d: {  	[tilespmem:s29+$0x0] =	vst v2;
	s29 =	sadd.s32 s3, s30  }
0x10e: {  	[hbm4b:s29+s5] =	stream.linear.scatter [tilespmem:s17], [sflag:$0x2], $0x4000, $0x38;
	[tilespmem:$0x1A400] =	vst v63  }
0x10f: {  	_ =	swait.ge [sflag:s22], $0x4000  }
0x110: {  	s31 =	simm.s32 @!p0 $0xA400;
	[sflag:s22] =	ssyncset.done $0x0  }
0x111: {  	s30 =	simm.s32 @!p0 $0x80;
	s29 =	sadd.s32 @!p0 $0x300, s28;
	[sflag:s22] =	ssyncadd.s32 $0xFFFFC000  }
0x112: {  	[tilespmem:s31], [sflag:$0x1] =	stream.indirect.gather @!p0 [hbm4b:s2+s30], $0x80, s29, s30, $0xb8;
	[tilespmem:$0x1A400] =	vst v63  }
0x113: {  	_ =	swait.ge [sflag:s20], $0x4000  }
0x114: {  	[sflag:s20] =	ssyncset.done $0x0  }
0x115: {  	s29 =	simm.s32 $0x12400;
	[sflag:s20] =	ssyncadd.s32 $0xFFFFC000  }
0x116: {  	v0 =	vld [tilespmem:s29+$0x1F0]  }
0x117: {  	v1 =	vld [tilespmem:s29+$0x10]  }
0x118: {  	v2 =	vld [tilespmem:s29+$0x20]  }
0x119: {  	v3 =	vld [tilespmem:s29+$0x30]  }
0x11a: {  	v6 =	vld [tilespmem:s29+$0x60]  }
0x11b: {  	v4 =	vld [tilespmem:s29+$0x40]  }
0x11c: {  	v5 =	vld [tilespmem:s29+$0x50];
	v0 =	vmul.f32 $1.131370830e+01, v0  }
0x11d: {  	v8 =	vld [tilespmem:s29+$0x80];
	v1 =	vmul.f32 $1.131370830e+01, v1  }
0x11e: {  	v7 =	vld [tilespmem:s29+$0x70];
	v2 =	vmul.f32 $1.131370830e+01, v2;
	[tilespmem:s29+$0x1F0] =	vst v0  }
0x11f: {  	v6 =	vmul.f32 $1.131370830e+01, v6;
	v0 =	vld [tilespmem:s29+$0x90];
	[tilespmem:s29+$0x10] =	vst v1  }
0x120: {  	v1 =	vmul.f32 $1.131370830e+01, v3;
	v3 =	vld [tilespmem:s29+$0xA0];
	[tilespmem:s29+$0x20] =	vst v2;
	v2 =	vmul.f32 $1.131370830e+01, v4  }
0x121: {  	[tilespmem:s29+$0x60] =	vst v6;
	v6 =	vld [tilespmem:s29+$0xF0]  }
0x122: {  	v4 =	vld [tilespmem:s29+$0xB0];
	[tilespmem:s29+$0x40] =	vst v2;
	v2 =	vmul.f32 $1.131370830e+01, v8  }
0x123: {  	[tilespmem:s29+$0x30] =	vst v1;
	v1 =	vmul.f32 $1.131370830e+01, v5;
	v5 =	vld [tilespmem:s29+$0xC0]  }
0x124: {  	v8 =	vld [tilespmem:s29+$0xD0];
	[tilespmem:s29+$0x80] =	vst v2;
	v2 =	vmul.f32 $1.131370830e+01, v7  }
0x125: {  	[tilespmem:s29+$0x50] =	vst v1;
	v1 =	vld [tilespmem:s29+$0xE0];
	v0 =	vmul.f32 $1.131370830e+01, v0  }
0x126: {  	v7 =	vld [tilespmem:s29+$0x130];
	v6 =	vmul.f32 $1.131370830e+01, v6;
	[tilespmem:s29+$0x70] =	vst v2  }
0x127: {  	v2 =	vmul.f32 $1.131370830e+01, v3;
	v3 =	vld [tilespmem:s29+$0x100];
	[tilespmem:s29+$0x90] =	vst v0  }
0x128: {  	v0 =	vmul.f32 $1.131370830e+01, v4;
	v4 =	vld [tilespmem:s29+$0x110];
	[tilespmem:s29+$0xF0] =	vst v6  }
0x129: {  	[tilespmem:s29+$0xA0] =	vst v2;
	v2 =	vmul.f32 $1.131370830e+01, v5;
	v5 =	vld [tilespmem:s29+$0x120]  }
0x12a: {  	v6 =	vld [tilespmem:s29+$0x180];
	[tilespmem:s29+$0xB0] =	vst v0;
	v0 =	vmul.f32 $1.131370830e+01, v8  }
0x12b: {  	v1 =	vmul.f32 $1.131370830e+01, v1;
	[tilespmem:s29+$0xC0] =	vst v2;
	v2 =	vld [tilespmem:s29+$0x140]  }
0x12c: {  	[tilespmem:s29+$0xD0] =	vst v0;
	v0 =	vmul.f32 $1.131370830e+01, v3  }
0x12d: {  	v3 =	vld [tilespmem:s29+$0x150];
	[tilespmem:s29+$0xE0] =	vst v1;
	v4 =	vmul.f32 $1.131370830e+01, v4  }
0x12e: {  	v1 =	vld [tilespmem:s29+$0x160];
	[tilespmem:s29+$0x100] =	vst v0;
	v0 =	vmul.f32 $1.131370830e+01, v5  }
0x12f: {  	v6 =	vmul.f32 $1.131370830e+01, v6;
	v5 =	vld [tilespmem:s29+$0x170];
	[tilespmem:s29+$0x110] =	vst v4  }
0x130: {  	v4 =	vmul.f32 $1.131370830e+01, v7;
	v7 =	vld [tilespmem:s29+$0x190];
	[tilespmem:s29+$0x120] =	vst v0;
	v0 =	vmul.f32 $1.131370830e+01, v2  }
0x131: {  	v8 =	vld [tilespmem:s29+$0x1A0];
	[tilespmem:s29+$0x180] =	vst v6  }
0x132: {  	v2 =	vmul.f32 $1.131370830e+01, v3;
	[tilespmem:s29+$0x140] =	vst v0;
	v0 =	vld [tilespmem:s29+$0x1B0]  }
0x133: {  	[tilespmem:s29+$0x130] =	vst v4;
	v3 =	vmul.f32 $1.131370830e+01, v1;
	v1 =	vld [tilespmem:s29+$0x1C0]  }
0x134: {  	[tilespmem:s29+$0x150] =	vst v2;
	v4 =	vmul.f32 $1.131370830e+01, v5;
	v2 =	vld [tilespmem:s29+$0x1D0]  }
0x135: {  	[tilespmem:s29+$0x160] =	vst v3;
	v3 =	vld [tilespmem:s29+$0x1E0];
	v5 =	vmul.f32 $1.131370830e+01, v7  }
0x136: {  	s30 =	simm.s32 $0x0;
	s31 =	simm.s32 $0x12600;
	v6 =	vmul.f32 $1.131370830e+01, v8;
	[tilespmem:s29+$0x170] =	vst v4;
	v4 =	vld [tilespmem:s29+$0x0]  }
.LBB2_9:
0x137: {  	v7 =	vld [tilespmem:s31+$0x1F0];
	s30 =	sadd.s32 $0x4, s30;
	[tilespmem:s29+$0x190] =	vst v5;
	v0 =	vmul.f32 $1.131370830e+01, v0  }
0x138: {  	v5 =	vld [tilespmem:s31+$0x10];
	p1 =	slt.u32 s30, $0x7C;
	[tilespmem:s29+$0x1A0] =	vst v6;
	v1 =	vmul.f32 $1.131370830e+01, v1  }
0x139: {  	v6 =	vld [tilespmem:s31+$0x20];
	[tilespmem:s29+$0x1B0] =	vst v0;
	v0 =	vmul.f32 $1.131370830e+01, v2  }
0x13a: {  	v2 =	vld [tilespmem:s31+$0x30];
	[tilespmem:s29+$0x1C0] =	vst v1;
	v1 =	vmul.f32 $1.131370830e+01, v3  }
0x13b: {  	v3 =	vld [tilespmem:s31+$0x40];
	v4 =	vmul.f32 $1.131370830e+01, v4;
	[tilespmem:s29+$0x1D0] =	vst v0  }
0x13c: {  	v0 =	vld [tilespmem:s31+$0x50];
	v7 =	vmul.f32 $1.131370830e+01, v7;
	[tilespmem:s29+$0x1E0] =	vst v1  }
0x13d: {  	v1 =	vmul.f32 $1.131370830e+01, v5;
	v5 =	vld [tilespmem:s31+$0x60];
	[tilespmem:s29+$0x0] =	vst v4;
	s29 =	smov.u32 s31  }
0x13e: {  	v4 =	vmul.f32 $1.131370830e+01, v6;
	v6 =	vld [tilespmem:s31+$0x70];
	[tilespmem:s31+$0x1F0] =	vst v7  }
0x13f: {  	[tilespmem:s31+$0x10] =	vst v1;
	v1 =	vmul.f32 $1.131370830e+01, v2;
	v2 =	vld [tilespmem:s31+$0x80]  }
0x140: {  	[tilespmem:s31+$0x20] =	vst v4;
	v3 =	vmul.f32 $1.131370830e+01, v3;
	v4 =	vld [tilespmem:s31+$0x90]  }
0x141: {  	[tilespmem:s31+$0x30] =	vst v1;
	v0 =	vmul.f32 $1.131370830e+01, v0;
	v1 =	vld [tilespmem:s31+$0xA0]  }
0x142: {  	[tilespmem:s31+$0x40] =	vst v3;
	v3 =	vmul.f32 $1.131370830e+01, v5;
	v5 =	vld [tilespmem:s31+$0xB0]  }
0x143: {  	[tilespmem:s31+$0x50] =	vst v0;
	v0 =	vmul.f32 $1.131370830e+01, v6;
	v6 =	vld [tilespmem:s31+$0xC0]  }
0x144: {  	[tilespmem:s31+$0x60] =	vst v3;
	v2 =	vmul.f32 $1.131370830e+01, v2;
	v3 =	vld [tilespmem:s31+$0xD0]  }
0x145: {  	[tilespmem:s31+$0x70] =	vst v0;
	v0 =	vmul.f32 $1.131370830e+01, v4;
	v4 =	vld [tilespmem:s31+$0xE0]  }
0x146: {  	[tilespmem:s31+$0x80] =	vst v2;
	v1 =	vmul.f32 $1.131370830e+01, v1;
	v2 =	vld [tilespmem:s31+$0xF0]  }
0x147: {  	[tilespmem:s31+$0x90] =	vst v0;
	v0 =	vmul.f32 $1.131370830e+01, v5;
	v5 =	vld [tilespmem:s31+$0x100]  }
0x148: {  	[tilespmem:s31+$0xA0] =	vst v1;
	v1 =	vmul.f32 $1.131370830e+01, v6;
	v6 =	vld [tilespmem:s31+$0x110]  }
0x149: {  	[tilespmem:s31+$0xB0] =	vst v0;
	v0 =	vmul.f32 $1.131370830e+01, v3;
	v3 =	vld [tilespmem:s31+$0x120]  }
0x14a: {  	[tilespmem:s31+$0xC0] =	vst v1;
	v1 =	vmul.f32 $1.131370830e+01, v4;
	v4 =	vld [tilespmem:s31+$0x130]  }
0x14b: {  	[tilespmem:s31+$0xD0] =	vst v0;
	v0 =	vmul.f32 $1.131370830e+01, v2;
	v2 =	vld [tilespmem:s31+$0x140]  }
0x14c: {  	[tilespmem:s31+$0xE0] =	vst v1;
	v1 =	vmul.f32 $1.131370830e+01, v5;
	v5 =	vld [tilespmem:s31+$0x150]  }
0x14d: {  	[tilespmem:s31+$0xF0] =	vst v0;
	v0 =	vmul.f32 $1.131370830e+01, v6;
	v6 =	vld [tilespmem:s31+$0x160]  }
0x14e: {  	[tilespmem:s31+$0x100] =	vst v1;
	v1 =	vmul.f32 $1.131370830e+01, v3;
	v3 =	vld [tilespmem:s31+$0x170]  }
0x14f: {  	[tilespmem:s31+$0x110] =	vst v0;
	v0 =	vmul.f32 $1.131370830e+01, v4;
	v4 =	vld [tilespmem:s31+$0x180]  }
0x150: {  	[tilespmem:s31+$0x120] =	vst v1;
	v1 =	vmul.f32 $1.131370830e+01, v2;
	v7 =	vld [tilespmem:s31+$0x190]  }
0x151: {  	[tilespmem:s31+$0x130] =	vst v0;
	v2 =	vmul.f32 $1.131370830e+01, v5;
	v8 =	vld [tilespmem:s31+$0x1A0]  }
.Ltmp5:
0x152: {  	[tilespmem:s31+$0x140] =	vst v1;
	v5 =	vmul.f32 $1.131370830e+01, v6;
	v0 =	vld [tilespmem:s31+$0x1B0];
	(pc) =	sbr.rel @p1 .LBB2_9-.Ltmp5, $4  }
0x153: {  	[tilespmem:s31+$0x150] =	vst v2;
	v3 =	vmul.f32 $1.131370830e+01, v3;
	v1 =	vld [tilespmem:s31+$0x1C0]  }
0x154: {  	[tilespmem:s31+$0x160] =	vst v5;
	v6 =	vmul.f32 $1.131370830e+01, v4;
	v2 =	vld [tilespmem:s31+$0x1D0]  }
0x155: {  	[tilespmem:s31+$0x170] =	vst v3;
	v5 =	vmul.f32 $1.131370830e+01, v7;
	v3 =	vld [tilespmem:s31+$0x1E0]  }
0x156: {  	s31 =	sadd.s32 $0x200, s31;
	v4 =	vld [tilespmem:s29+$0x0];
	[tilespmem:s29+$0x180] =	vst v6;
	v6 =	vmul.f32 $1.131370830e+01, v8  }
0x157: {  	[tilespmem:s29+$0x190] =	vst v5;
	v0 =	vmul.f32 $1.131370830e+01, v0  }
0x158: {  	[tilespmem:s29+$0x1A0] =	vst v6;
	v1 =	vmul.f32 $1.131370830e+01, v1  }
0x159: {  	[tilespmem:s29+$0x1B0] =	vst v0;
	v0 =	vmul.f32 $1.131370830e+01, v2  }
0x15a: {  	[tilespmem:s29+$0x1C0] =	vst v1;
	v1 =	vmul.f32 $1.131370830e+01, v3  }
0x15b: {  	s26 =	sadd.s32 s26, s9;
	v2 =	vmul.f32 $1.131370830e+01, v4;
	[tilespmem:s29+$0x1D0] =	vst v0  }
0x15c: {  	s26 =	sshll.u32 s26, $0x4;
	[tilespmem:s29+$0x1E0] =	vst v1  }
0x15d: {  	s26 =	sadd.s32 s3, s26;
	[tilespmem:s29+$0x0] =	vst v2  }
0x15e: {  	[hbm4b:s26+s5] =	stream.linear.scatter [tilespmem:s19], [sflag:$0x2], $0x4000, $0x38;
	[tilespmem:$0x1A400] =	vst v63  }
0x15f: {  	_ =	swait.ge [sflag:s22], $0x4000  }
0x160: {  	s29 =	simm.s32 @!p0 $0xE400;
	[sflag:s22] =	ssyncset.done $0x0  }
0x161: {  	s26 =	sadd.s32 @!p0 $0x380, s28;
	s28 =	simm.s32 @!p0 $0x80;
	[sflag:s22] =	ssyncadd.s32 $0xFFFFC000  }
0x162: {  	[tilespmem:s29], [sflag:$0x1] =	stream.indirect.gather @!p0 [hbm4b:s2+s28], $0x80, s26, s28, $0xb8;
	[tilespmem:$0x1A400] =	vst v63  }
0x163: {  	_ =	swait.ge [sflag:s20], $0x4000  }
0x164: {  	[sflag:s20] =	ssyncset.done $0x0  }
0x165: {  	s26 =	simm.s32 $0x16400;
	[sflag:s20] =	ssyncadd.s32 $0xFFFFC000  }
0x166: {  	v0 =	vld [tilespmem:s26+$0x1F0]  }
0x167: {  	v1 =	vld [tilespmem:s26+$0x10]  }
0x168: {  	v2 =	vld [tilespmem:s26+$0x20]  }
0x169: {  	v3 =	vld [tilespmem:s26+$0x30]  }
0x16a: {  	v6 =	vld [tilespmem:s26+$0x60]  }
0x16b: {  	v4 =	vld [tilespmem:s26+$0x40]  }
0x16c: {  	v5 =	vld [tilespmem:s26+$0x50];
	v0 =	vmul.f32 $1.131370830e+01, v0  }
0x16d: {  	v8 =	vld [tilespmem:s26+$0x80];
	v1 =	vmul.f32 $1.131370830e+01, v1  }
0x16e: {  	v7 =	vld [tilespmem:s26+$0x70];
	v2 =	vmul.f32 $1.131370830e+01, v2;
	[tilespmem:s26+$0x1F0] =	vst v0  }
0x16f: {  	v6 =	vmul.f32 $1.131370830e+01, v6;
	v0 =	vld [tilespmem:s26+$0x90];
	[tilespmem:s26+$0x10] =	vst v1  }
0x170: {  	v1 =	vmul.f32 $1.131370830e+01, v3;
	v3 =	vld [tilespmem:s26+$0xA0];
	[tilespmem:s26+$0x20] =	vst v2;
	v2 =	vmul.f32 $1.131370830e+01, v4  }
0x171: {  	[tilespmem:s26+$0x60] =	vst v6;
	v6 =	vld [tilespmem:s26+$0xF0]  }
0x172: {  	v4 =	vld [tilespmem:s26+$0xB0];
	[tilespmem:s26+$0x40] =	vst v2;
	v2 =	vmul.f32 $1.131370830e+01, v8  }
0x173: {  	[tilespmem:s26+$0x30] =	vst v1;
	v1 =	vmul.f32 $1.131370830e+01, v5;
	v5 =	vld [tilespmem:s26+$0xC0]  }
0x174: {  	v8 =	vld [tilespmem:s26+$0xD0];
	[tilespmem:s26+$0x80] =	vst v2;
	v2 =	vmul.f32 $1.131370830e+01, v7  }
0x175: {  	[tilespmem:s26+$0x50] =	vst v1;
	v1 =	vld [tilespmem:s26+$0xE0];
	v0 =	vmul.f32 $1.131370830e+01, v0  }
0x176: {  	v7 =	vld [tilespmem:s26+$0x130];
	v6 =	vmul.f32 $1.131370830e+01, v6;
	[tilespmem:s26+$0x70] =	vst v2  }
0x177: {  	v2 =	vmul.f32 $1.131370830e+01, v3;
	v3 =	vld [tilespmem:s26+$0x100];
	[tilespmem:s26+$0x90] =	vst v0  }
0x178: {  	v0 =	vmul.f32 $1.131370830e+01, v4;
	v4 =	vld [tilespmem:s26+$0x110];
	[tilespmem:s26+$0xF0] =	vst v6  }
0x179: {  	[tilespmem:s26+$0xA0] =	vst v2;
	v2 =	vmul.f32 $1.131370830e+01, v5;
	v5 =	vld [tilespmem:s26+$0x120]  }
0x17a: {  	v6 =	vld [tilespmem:s26+$0x180];
	[tilespmem:s26+$0xB0] =	vst v0;
	v0 =	vmul.f32 $1.131370830e+01, v8  }
0x17b: {  	v1 =	vmul.f32 $1.131370830e+01, v1;
	[tilespmem:s26+$0xC0] =	vst v2;
	v2 =	vld [tilespmem:s26+$0x140]  }
0x17c: {  	[tilespmem:s26+$0xD0] =	vst v0;
	v0 =	vmul.f32 $1.131370830e+01, v3  }
0x17d: {  	v3 =	vld [tilespmem:s26+$0x150];
	[tilespmem:s26+$0xE0] =	vst v1;
	v4 =	vmul.f32 $1.131370830e+01, v4  }
0x17e: {  	v1 =	vld [tilespmem:s26+$0x160];
	[tilespmem:s26+$0x100] =	vst v0;
	v0 =	vmul.f32 $1.131370830e+01, v5  }
0x17f: {  	v6 =	vmul.f32 $1.131370830e+01, v6;
	v5 =	vld [tilespmem:s26+$0x170];
	[tilespmem:s26+$0x110] =	vst v4  }
0x180: {  	v4 =	vmul.f32 $1.131370830e+01, v7;
	v7 =	vld [tilespmem:s26+$0x190];
	[tilespmem:s26+$0x120] =	vst v0;
	v0 =	vmul.f32 $1.131370830e+01, v2  }
0x181: {  	v8 =	vld [tilespmem:s26+$0x1A0];
	[tilespmem:s26+$0x180] =	vst v6  }
0x182: {  	v2 =	vmul.f32 $1.131370830e+01, v3;
	[tilespmem:s26+$0x140] =	vst v0;
	v0 =	vld [tilespmem:s26+$0x1B0]  }
0x183: {  	[tilespmem:s26+$0x130] =	vst v4;
	v3 =	vmul.f32 $1.131370830e+01, v1;
	v1 =	vld [tilespmem:s26+$0x1C0]  }
0x184: {  	[tilespmem:s26+$0x150] =	vst v2;
	v4 =	vmul.f32 $1.131370830e+01, v5;
	v2 =	vld [tilespmem:s26+$0x1D0]  }
0x185: {  	[tilespmem:s26+$0x160] =	vst v3;
	v3 =	vld [tilespmem:s26+$0x1E0];
	v5 =	vmul.f32 $1.131370830e+01, v7  }
0x186: {  	s28 =	simm.s32 $0x0;
	s29 =	simm.s32 $0x16600;
	v6 =	vmul.f32 $1.131370830e+01, v8;
	[tilespmem:s26+$0x170] =	vst v4;
	v4 =	vld [tilespmem:s26+$0x0]  }
.LBB2_11:
0x187: {  	v7 =	vld [tilespmem:s29+$0x1F0];
	s28 =	sadd.s32 $0x4, s28;
	[tilespmem:s26+$0x190] =	vst v5;
	v0 =	vmul.f32 $1.131370830e+01, v0  }
0x188: {  	v5 =	vld [tilespmem:s29+$0x10];
	p1 =	slt.u32 s28, $0x7C;
	[tilespmem:s26+$0x1A0] =	vst v6;
	v1 =	vmul.f32 $1.131370830e+01, v1  }
0x189: {  	v6 =	vld [tilespmem:s29+$0x20];
	[tilespmem:s26+$0x1B0] =	vst v0;
	v0 =	vmul.f32 $1.131370830e+01, v2  }
0x18a: {  	v2 =	vld [tilespmem:s29+$0x30];
	[tilespmem:s26+$0x1C0] =	vst v1;
	v1 =	vmul.f32 $1.131370830e+01, v3  }
0x18b: {  	v3 =	vld [tilespmem:s29+$0x40];
	v4 =	vmul.f32 $1.131370830e+01, v4;
	[tilespmem:s26+$0x1D0] =	vst v0  }
0x18c: {  	v0 =	vld [tilespmem:s29+$0x50];
	v7 =	vmul.f32 $1.131370830e+01, v7;
	[tilespmem:s26+$0x1E0] =	vst v1  }
0x18d: {  	v1 =	vmul.f32 $1.131370830e+01, v5;
	v5 =	vld [tilespmem:s29+$0x60];
	[tilespmem:s26+$0x0] =	vst v4;
	s26 =	smov.u32 s29  }
0x18e: {  	v4 =	vmul.f32 $1.131370830e+01, v6;
	v6 =	vld [tilespmem:s29+$0x70];
	[tilespmem:s29+$0x1F0] =	vst v7  }
0x18f: {  	[tilespmem:s29+$0x10] =	vst v1;
	v1 =	vmul.f32 $1.131370830e+01, v2;
	v2 =	vld [tilespmem:s29+$0x80]  }
0x190: {  	[tilespmem:s29+$0x20] =	vst v4;
	v3 =	vmul.f32 $1.131370830e+01, v3;
	v4 =	vld [tilespmem:s29+$0x90]  }
0x191: {  	[tilespmem:s29+$0x30] =	vst v1;
	v0 =	vmul.f32 $1.131370830e+01, v0;
	v1 =	vld [tilespmem:s29+$0xA0]  }
0x192: {  	[tilespmem:s29+$0x40] =	vst v3;
	v3 =	vmul.f32 $1.131370830e+01, v5;
	v5 =	vld [tilespmem:s29+$0xB0]  }
0x193: {  	[tilespmem:s29+$0x50] =	vst v0;
	v0 =	vmul.f32 $1.131370830e+01, v6;
	v6 =	vld [tilespmem:s29+$0xC0]  }
0x194: {  	[tilespmem:s29+$0x60] =	vst v3;
	v2 =	vmul.f32 $1.131370830e+01, v2;
	v3 =	vld [tilespmem:s29+$0xD0]  }
0x195: {  	[tilespmem:s29+$0x70] =	vst v0;
	v0 =	vmul.f32 $1.131370830e+01, v4;
	v4 =	vld [tilespmem:s29+$0xE0]  }
0x196: {  	[tilespmem:s29+$0x80] =	vst v2;
	v1 =	vmul.f32 $1.131370830e+01, v1;
	v2 =	vld [tilespmem:s29+$0xF0]  }
0x197: {  	[tilespmem:s29+$0x90] =	vst v0;
	v0 =	vmul.f32 $1.131370830e+01, v5;
	v5 =	vld [tilespmem:s29+$0x100]  }
0x198: {  	[tilespmem:s29+$0xA0] =	vst v1;
	v1 =	vmul.f32 $1.131370830e+01, v6;
	v6 =	vld [tilespmem:s29+$0x110]  }
0x199: {  	[tilespmem:s29+$0xB0] =	vst v0;
	v0 =	vmul.f32 $1.131370830e+01, v3;
	v3 =	vld [tilespmem:s29+$0x120]  }
0x19a: {  	[tilespmem:s29+$0xC0] =	vst v1;
	v1 =	vmul.f32 $1.131370830e+01, v4;
	v4 =	vld [tilespmem:s29+$0x130]  }
0x19b: {  	[tilespmem:s29+$0xD0] =	vst v0;
	v0 =	vmul.f32 $1.131370830e+01, v2;
	v2 =	vld [tilespmem:s29+$0x140]  }
0x19c: {  	[tilespmem:s29+$0xE0] =	vst v1;
	v1 =	vmul.f32 $1.131370830e+01, v5;
	v5 =	vld [tilespmem:s29+$0x150]  }
0x19d: {  	[tilespmem:s29+$0xF0] =	vst v0;
	v0 =	vmul.f32 $1.131370830e+01, v6;
	v6 =	vld [tilespmem:s29+$0x160]  }
0x19e: {  	[tilespmem:s29+$0x100] =	vst v1;
	v1 =	vmul.f32 $1.131370830e+01, v3;
	v3 =	vld [tilespmem:s29+$0x170]  }
0x19f: {  	[tilespmem:s29+$0x110] =	vst v0;
	v0 =	vmul.f32 $1.131370830e+01, v4;
	v4 =	vld [tilespmem:s29+$0x180]  }
0x1a0: {  	[tilespmem:s29+$0x120] =	vst v1;
	v1 =	vmul.f32 $1.131370830e+01, v2;
	v7 =	vld [tilespmem:s29+$0x190]  }
0x1a1: {  	[tilespmem:s29+$0x130] =	vst v0;
	v2 =	vmul.f32 $1.131370830e+01, v5;
	v8 =	vld [tilespmem:s29+$0x1A0]  }
.Ltmp6:
0x1a2: {  	[tilespmem:s29+$0x140] =	vst v1;
	v5 =	vmul.f32 $1.131370830e+01, v6;
	v0 =	vld [tilespmem:s29+$0x1B0];
	(pc) =	sbr.rel @p1 .LBB2_11-.Ltmp6, $4  }
0x1a3: {  	[tilespmem:s29+$0x150] =	vst v2;
	v3 =	vmul.f32 $1.131370830e+01, v3;
	v1 =	vld [tilespmem:s29+$0x1C0]  }
0x1a4: {  	[tilespmem:s29+$0x160] =	vst v5;
	v6 =	vmul.f32 $1.131370830e+01, v4;
	v2 =	vld [tilespmem:s29+$0x1D0]  }
0x1a5: {  	[tilespmem:s29+$0x170] =	vst v3;
	v5 =	vmul.f32 $1.131370830e+01, v7;
	v3 =	vld [tilespmem:s29+$0x1E0]  }
0x1a6: {  	s29 =	sadd.s32 $0x200, s29;
	v4 =	vld [tilespmem:s26+$0x0];
	[tilespmem:s26+$0x180] =	vst v6;
	v6 =	vmul.f32 $1.131370830e+01, v8  }
0x1a7: {  	[tilespmem:s26+$0x190] =	vst v5;
	v0 =	vmul.f32 $1.131370830e+01, v0  }
0x1a8: {  	[tilespmem:s26+$0x1A0] =	vst v6;
	v1 =	vmul.f32 $1.131370830e+01, v1  }
0x1a9: {  	[tilespmem:s26+$0x1B0] =	vst v0;
	v61 =	vmul.f32 $1.131370830e+01, v2  }
0x1aa: {  	s25 =	sshll.u32 s25, $0xE;
	[tilespmem:s26+$0x1C0] =	vst v1;
	v62 =	vmul.f32 $1.131370830e+01, v3  }
0x1ab: {  	s25 =	sadd.s32 s10, s25;
	v63 =	vmul.f32 $1.131370830e+01, v4;
	[tilespmem:s26+$0x1D0] =	vst v61  }
0x1ac: {  	s25 =	sshrl.u32 s25, $0x3;
	[tilespmem:s26+$0x1E0] =	vst v62  }
.Ltmp7:
0x1ad: {  	s25 =	sadd.s32 s3, s25;
	[tilespmem:s26+$0x0] =	vst v63;
	(pc) =	sbr.rel @p0 .LBB2_14-.Ltmp7, $4  }
0x1ae: {  	[hbm4b:s25+s5] =	stream.linear.scatter [tilespmem:s21], [sflag:$0x2], $0x4000, $0x38;
	[tilespmem:$0x1A400] =	vst v63  }
0x1af: {  	_ =	swait.ge [sflag:s22], $0x4000  }
0x1b0: {  	[sflag:s22] =	ssyncset.done $0x0  }
0x1b1: {  	[sflag:s22] =	ssyncadd.s32 $0xFFFFC000  }
0x1b2: {  	s25 =	smul.u32 $0xA00, s24  }
.Ltmp8:
0x1b3: {  	_ = 	snop;
	(pc) =	sbr.rel .LBB2_2-.Ltmp8, $4  }
0x1b4: {  	_ = 	snop  }
0x1b5: {  	s25 =	sshra.s32 s25, $0x2  }
0x1b6: {  	s24 =	sadd.s32 $0x1, s24;
	s25 =	sadd.s32 $0x400, s25  }
0x1b7: {  	[tilespmem:s19], [sflag:$0x1] =	stream.indirect.gather [hbm4b:s2+s13], $0x80, s25, s13, $0xb8;
	[tilespmem:$0x1A400] =	vst v63  }
.LBB2_15:
0x1b8: {  	_ =	sfence.sel $0x180000  }
0x1b9: {  	[bflag:$0x0] =	sbarrier.arrive $0xFFFF  }
0x1ba: {  	p0 =	sne.s32 s0, $0x0;
	_ =	strace $0x90000047  }
0x1bb: {  	s0 =	sadd.s32 @!p0 $0x100000, s1;
	[bflag:$0x2] =	sbarrier.arrive $0xFFFF  }
0x1bc: {  	[sflag:s0] =	ssyncadd.tile.s32 @!p0 $0x1;
	_ =	shalt  }
.Lfunc_end2:
_tile_overlayer_lowered:
.L_overlay_start_2:
0x1bd: {  	(tag) =	ssettag $0x2  }
0x1be: {  	s0 =	rddreg [dreg:$0x0];
	s2 =	stileid.u32  }
0x1bf: {  	s1 =	rddreg [dreg:$0x1];
	p0 =	sne.s32 s2, $0x0  }
0x1c0: {  	s3 =	rddreg [dreg:$0x2];
	[bflag:$0x3] =	sbarrier.arrive $0xFFFF;
	s2 =	simm.s32 @!p0 $0x1C03  }
0x1c1: {  	[timem:s3], [sflag:s2] =	dma.local @!p0 [hbm:s0], s1  }
0x1c2: {  	s0 =	simm.s32 @!p0 $0x3  }
0x1c3: {  	_ =	swait.ge @!p0 [sflag:s0], s1  }
0x1c4: {  	s1 =	ssub.s32 @!p0 $0x0, s1;
	[sflag:s0] =	ssyncset.done @!p0 $0x0  }
0x1c5: {  	[sflag:s0] =	ssyncadd.s32 @!p0 s1  }
0x1c6: {  	[bflag:$0x3] =	sbarrier.arrive $0xFFFF  }
0x1c7: {  	_ =	shalt  }

</sc_bundles>
